<compile_context>
chip_gen: v7x
topology: tpu7x:2x2x1
jax: 0.10.2.dev20260603
libtpu: 0.0.44.dev20260713+nightly
codegen_flags: <defaults>
</compile_context>

<pallas_src>
import functools

import jax
import jax.numpy as jnp
from jax import lax
from jax.experimental import pallas as pl
from jax.experimental.pallas import tpu as pltpu
from jax.experimental.pallas import tpu_sc as plsc

N_SOFT = 10
LANES = 16


@functools.lru_cache(maxsize=None)
def _build(B, L, V, D):
    info = plsc.get_sparse_core_info()
    num_cores = info.num_cores
    num_workers = num_cores * info.num_subcores
    n_rows = B * L
    assert n_rows % num_workers == 0
    rows_per_w = n_rows // num_workers
    chunk = 32
    nbuf = 4
    assert rows_per_w % chunk == 0
    assert L % rows_per_w == 0
    assert N_SOFT <= chunk
    n_chunks = rows_per_w // chunk

    mesh = plsc.VectorSubcoreMesh(core_axis_name="c", subcore_axis_name="s")

    @functools.partial(
        pl.kernel,
        mesh=mesh,
        out_type=jax.ShapeDtypeStruct((n_rows, D), jnp.float32),
        scratch_types=[
            pltpu.VMEM((rows_per_w,), jnp.int32),
            pltpu.VMEM((N_SOFT, D), jnp.float32),
        ] + [pltpu.VMEM((chunk, D), jnp.float32)] * nbuf
          + [pltpu.SemaphoreType.DMA] * (2 * nbuf),
    )
    def run(tokens_hbm, wte_hbm, sp_hbm, out_hbm, idx_v, sp_v, *rest):
        bufs = rest[:nbuf]
        gsems = rest[nbuf:2 * nbuf]
        osems = rest[2 * nbuf:]
        wid = lax.axis_index("s") * num_cores + lax.axis_index("c")
        base = wid * rows_per_w

        pltpu.sync_copy(tokens_hbm.at[pl.ds(base, rows_per_w)], idx_v)

        def start_gather(c):
            return pltpu.async_copy(
                wte_hbm.at[idx_v.at[pl.ds(c * chunk, chunk)]],
                bufs[c % nbuf], gsems[c % nbuf])

        gathers = [None] * n_chunks
        outs = [None] * n_chunks
        for c in range(min(nbuf - 1, n_chunks)):
            gathers[c] = start_gather(c)
        for c in range(n_chunks):
            buf = bufs[c % nbuf]
            gathers[c].wait()
            if c == 0:
                @pl.when(base % L == 0)
                def _():
                    pltpu.sync_copy(sp_hbm, sp_v)

                    def body(j, carry):
                        col = j * LANES
                        for l in range(N_SOFT):
                            buf[l, pl.ds(col, LANES)] = (
                                sp_v[l, pl.ds(col, LANES)])
                        return carry

                    lax.fori_loop(0, D // LANES, body, 0)
            outs[c] = pltpu.async_copy(
                buf, out_hbm.at[pl.ds(base + c * chunk, chunk)], osems[c % nbuf])
            nxt = c + nbuf - 1
            if nxt < n_chunks:
                if c >= 1:
                    outs[c - 1].wait()
                gathers[nxt] = start_gather(nxt)
        for c in range(max(0, n_chunks - nbuf + 1), n_chunks):
            if c >= 1:
                outs[c - 1].wait()
        outs[n_chunks - 1].wait()

    return run


def kernel(tokens, wte, soft_prompt):
    B, L = tokens.shape
    V, D = wte.shape
    run = _build(B, L, V, D)
    flat = run(tokens.reshape(-1).astype(jnp.int32), wte, soft_prompt)
    return flat.reshape(B, L, D)

# --- scband reference (transcript-rebuilt; emitter-appended) ---
"""Pipeline reference for scband-soft-embedding-79044578115918 (READ-ONLY COPY).

The authoritative reference and input builder live on the scoring server;
editing this copy changes nothing except your own understanding.
"""

import jax, jax.numpy as jnp
import numpy as np

VOCAB = 50257
D = 768
N_TOKENS = 10
B = 4
L = 2048

def setup_inputs(seed: int = 0) -> dict:
    key = jax.random.key(seed)
    k1, k2 = jax.random.split(key)
    tokens = jax.random.randint(k1, (B, L), 0, VOCAB, dtype=jnp.int64 if jax.config.read('jax_enable_x64') else jnp.int32)
    wte = jax.random.normal(k2, (VOCAB, D), dtype=jnp.float32) * 0.02
    # initialize_from_vocab=True: soft prompt initialized from first n_tokens rows of wte
    soft_prompt = wte[:N_TOKENS]
    return {"tokens": tokens, "wte": wte, "soft_prompt": soft_prompt}

def reference(tokens, wte, soft_prompt):
    # input_embedding = wte(tokens[:, n_tokens:])
    input_embedding = jnp.take(wte, tokens[:, N_TOKENS:], axis=0)
    # learned_embedding = soft_prompt.weight.repeat(B, 1, 1)
    learned_embedding = jnp.broadcast_to(soft_prompt[None, :, :], (tokens.shape[0], N_TOKENS, D))
    return jnp.concatenate([learned_embedding, input_embedding], axis=1)

if __name__ == "__main__":
    import jax
    _d = setup_inputs()
    print(jax.jit(kernel)(*tuple(_d.values())))

</pallas_src>

<mosaic_0001>
#map = affine_map<(d0, d1) -> (0)>
#map1 = affine_map<(d0, d1) -> (0, 0)>
module attributes {stable_mosaic.version = 14 : i64} {
  func.func @run(%arg0: i32, %arg1: i32, %arg2: memref<8192xi32, #tpu.memory_space<hbm>>, %arg3: memref<50257x768xf32, #tpu.memory_space<hbm>>, %arg4: memref<10x768xf32, #tpu.memory_space<hbm>>, %arg5: memref<8192x768xf32, #tpu.memory_space<hbm>>, %arg6: memref<256xi32, #tpu.memory_space<vmem>>, %arg7: memref<10x768xf32, #tpu.memory_space<vmem>>, %arg8: memref<32x768xf32, #tpu.memory_space<vmem>>, %arg9: memref<32x768xf32, #tpu.memory_space<vmem>>, %arg10: memref<32x768xf32, #tpu.memory_space<vmem>>, %arg11: memref<32x768xf32, #tpu.memory_space<vmem>>, %arg12: memref<!tpu.dma_semaphore, #tpu.memory_space<semaphore_mem>>, %arg13: memref<!tpu.dma_semaphore, #tpu.memory_space<semaphore_mem>>, %arg14: memref<!tpu.dma_semaphore, #tpu.memory_space<semaphore_mem>>, %arg15: memref<!tpu.dma_semaphore, #tpu.memory_space<semaphore_mem>>, %arg16: memref<!tpu.dma_semaphore, #tpu.memory_space<semaphore_mem>>, %arg17: memref<!tpu.dma_semaphore, #tpu.memory_space<semaphore_mem>>, %arg18: memref<!tpu.dma_semaphore, #tpu.memory_space<semaphore_mem>>, %arg19: memref<!tpu.dma_semaphore, #tpu.memory_space<semaphore_mem>>) attributes {dimension_semantics = [#tpu.dimension_semantics<core_parallel>, #tpu.dimension_semantics<subcore_parallel>], iteration_bounds = array<i64: 2, 16>, scalar_prefetch = 0 : i64, scratch_operands = 14 : i64, tpu.core_type = #tpu.core_type<sc_vector_subcore>, window_params = [{transform_indices = #map}, {transform_indices = #map1}, {transform_indices = #map1}, {transform_indices = #map1}]} {
    %mul3A = arith.constant 2 : i32
    %mul3A_0 = arith.muli %arg1, %mul3A : i32
    %add3A = arith.addi %mul3A_0, %arg0 : i32
    %mul3A_1 = arith.constant 256 : i32
    %mul3A_2 = arith.muli %add3A, %mul3A_1 : i32
    "tpu.region"() ({
      %run_scoped3A = tpu.sem_alloc : memref<!tpu.dma_semaphore, #tpu.memory_space<semaphore_mem>>
      %dma_start3A_173 = tpu.memref_slice %arg2[%mul3A_2] : memref<8192xi32, #tpu.memory_space<hbm>> -> memref<256xi32, #tpu.memory_space<hbm>>
      %dma_start3A_174 = tpu.memref_slice %arg2[%mul3A_2] : memref<8192xi32, #tpu.memory_space<hbm>> -> memref<256xi32, #tpu.memory_space<hbm>>
      tpu.enqueue_dma source(%dma_start3A_174 : memref<256xi32, #tpu.memory_space<hbm>>) target(%arg6 : memref<256xi32, #tpu.memory_space<vmem>>) target_semaphore(%run_scoped3A : memref<!tpu.dma_semaphore, #tpu.memory_space<semaphore_mem>>)
      %dma_wait3A_175 = tpu.memref_slice %arg2[%mul3A_2] : memref<8192xi32, #tpu.memory_space<hbm>> -> memref<256xi32, #tpu.memory_space<hbm>>
      %dma_wait3A_176 = tpu.memref_slice %arg2[%mul3A_2] : memref<8192xi32, #tpu.memory_space<hbm>> -> memref<256xi32, #tpu.memory_space<hbm>>
      tpu.wait_dma2 semaphore(%run_scoped3A : memref<!tpu.dma_semaphore, #tpu.memory_space<semaphore_mem>>) src(%dma_wait3A_176 : memref<256xi32, #tpu.memory_space<hbm>>) dst(%arg6 : memref<256xi32, #tpu.memory_space<vmem>>)
      tpu.yield
    }) : () -> ()
    %dma_start3A = arith.constant 0 : i32
    %dma_start3A_3 = tpu.memref_slice %arg6[%dma_start3A] : memref<256xi32, #tpu.memory_space<vmem>> -> memref<32xi32, #tpu.memory_space<vmem>>
    %dma_start3A_4 = arith.constant 0 : i32
    %dma_start3A_5 = arith.constant 0 : i32
    %dma_start3A_6 = tpu.memref_slice %arg3[%dma_start3A_4, %dma_start3A_5] : memref<50257x768xf32, #tpu.memory_space<hbm>> -> memref<50257x768xf32, #tpu.memory_space<hbm>>
    tpu.enqueue_indirect_dma source(%dma_start3A_6 : memref<50257x768xf32, #tpu.memory_space<hbm>>) target(%arg8 : memref<32x768xf32, #tpu.memory_space<vmem>>) offsets(%dma_start3A_3 : memref<32xi32, #tpu.memory_space<vmem>>) semaphore(%arg12 : memref<!tpu.dma_semaphore, #tpu.memory_space<semaphore_mem>>)
    %dma_start3A_7 = arith.constant 32 : i32
    %dma_start3A_8 = tpu.memref_slice %arg6[%dma_start3A_7] : memref<256xi32, #tpu.memory_space<vmem>> -> memref<32xi32, #tpu.memory_space<vmem>>
    %dma_start3A_9 = arith.constant 0 : i32
    %dma_start3A_10 = arith.constant 0 : i32
    %dma_start3A_11 = tpu.memref_slice %arg3[%dma_start3A_9, %dma_start3A_10] : memref<50257x768xf32, #tpu.memory_space<hbm>> -> memref<50257x768xf32, #tpu.memory_space<hbm>>
    tpu.enqueue_indirect_dma source(%dma_start3A_11 : memref<50257x768xf32, #tpu.memory_space<hbm>>) target(%arg9 : memref<32x768xf32, #tpu.memory_space<vmem>>) offsets(%dma_start3A_8 : memref<32xi32, #tpu.memory_space<vmem>>) semaphore(%arg13 : memref<!tpu.dma_semaphore, #tpu.memory_space<semaphore_mem>>)
    %dma_start3A_12 = arith.constant 64 : i32
    %dma_start3A_13 = tpu.memref_slice %arg6[%dma_start3A_12] : memref<256xi32, #tpu.memory_space<vmem>> -> memref<32xi32, #tpu.memory_space<vmem>>
    %dma_start3A_14 = arith.constant 0 : i32
    %dma_start3A_15 = arith.constant 0 : i32
    %dma_start3A_16 = tpu.memref_slice %arg3[%dma_start3A_14, %dma_start3A_15] : memref<50257x768xf32, #tpu.memory_space<hbm>> -> memref<50257x768xf32, #tpu.memory_space<hbm>>
    tpu.enqueue_indirect_dma source(%dma_start3A_16 : memref<50257x768xf32, #tpu.memory_space<hbm>>) target(%arg10 : memref<32x768xf32, #tpu.memory_space<vmem>>) offsets(%dma_start3A_13 : memref<32xi32, #tpu.memory_space<vmem>>) semaphore(%arg14 : memref<!tpu.dma_semaphore, #tpu.memory_space<semaphore_mem>>)
    %dma_wait3A = arith.constant 0 : i32
    %dma_wait3A_17 = tpu.memref_slice %arg6[%dma_wait3A] : memref<256xi32, #tpu.memory_space<vmem>> -> memref<32xi32, #tpu.memory_space<vmem>>
    %dma_wait3A_18 = arith.constant 0 : i32
    %dma_wait3A_19 = arith.constant 0 : i32
    %dma_wait3A_20 = tpu.memref_slice %arg3[%dma_wait3A_18, %dma_wait3A_19] : memref<50257x768xf32, #tpu.memory_space<hbm>> -> memref<50257x768xf32, #tpu.memory_space<hbm>>
    tpu.wait_indirect_dma semaphore(%arg12 : memref<!tpu.dma_semaphore, #tpu.memory_space<semaphore_mem>>) src(%dma_wait3A_20 : memref<50257x768xf32, #tpu.memory_space<hbm>>) dst(%arg8 : memref<32x768xf32, #tpu.memory_space<vmem>>)
    %jit3A = arith.constant 2048 : i32
    %eq3A = arith.constant 0 : i32
    %eq3A_21 = arith.cmpi eq, %jit3A, %eq3A : i32
    %jit3A_22 = arith.constant 1 : i32
    %select_n3A = arith.select %eq3A_21, %jit3A_22, %jit3A : i32
    %rem3A = arith.remsi %mul3A_2, %select_n3A : i32
    %ne3A = arith.constant 0 : i32
    %ne3A_23 = arith.cmpi ne, %rem3A, %ne3A : i32
    %lt3A = arith.constant 0 : i32
    %lt3A_24 = arith.cmpi slt, %rem3A, %lt3A : i32
    %lt3A_25 = arith.constant 0 : i32
    %lt3A_26 = arith.cmpi slt, %select_n3A, %lt3A_25 : i32
    %ne3A_27 = arith.xori %lt3A_24, %lt3A_26 : i1
    %and3A = arith.andi %ne3A_27, %ne3A_23 : i1
    %add3A_28 = arith.addi %rem3A, %select_n3A : i32
    %select_n3A_29 = arith.select %and3A, %add3A_28, %rem3A : i32
    %eq3A_30 = arith.constant 0 : i32
    %eq3A_31 = arith.cmpi eq, %select_n3A_29, %eq3A_30 : i32
    %convert_element_type3A = arith.extui %eq3A_31 : i1 to i32
    %cond3A = arith.constant 0 : i32
    %cond3A_32 = arith.cmpi ne, %convert_element_type3A, %cond3A : i32
    scf.if %cond3A_32 {
      "tpu.region"() ({
        %run_scoped3A = tpu.sem_alloc : memref<!tpu.dma_semaphore, #tpu.memory_space<semaphore_mem>>
        tpu.enqueue_dma source(%arg4 : memref<10x768xf32, #tpu.memory_space<hbm>>) target(%arg7 : memref<10x768xf32, #tpu.memory_space<vmem>>) target_semaphore(%run_scoped3A : memref<!tpu.dma_semaphore, #tpu.memory_space<semaphore_mem>>)
        tpu.wait_dma2 semaphore(%run_scoped3A : memref<!tpu.dma_semaphore, #tpu.memory_space<semaphore_mem>>) src(%arg4 : memref<10x768xf32, #tpu.memory_space<hbm>>) dst(%arg7 : memref<10x768xf32, #tpu.memory_space<vmem>>)
        tpu.yield
      }) : () -> ()
      %scan3A = arith.constant 0 : i32
      %scan3A_173 = arith.constant 0 : i32
      %scan3A_174 = arith.constant 48 : i32
      %scan3A_175 = arith.addi %scan3A_173, %scan3A_174 : i32
      %scan3A_176 = arith.constant 1 : i32
      scf.for %scan3A_178 = %scan3A_173 to %scan3A_175 step %scan3A_176  : i32 {
        %mul3A_179 = arith.constant 16 : i32
        %mul3A_180 = arith.muli %scan3A_178, %mul3A_179 : i32
        %get3A = arith.constant 0 : i32
        %get3A_181 = arith.index_cast %get3A : i32 to index
        %get3A_182 = arith.index_cast %mul3A_180 : i32 to index
        %get3A_183 = tpu.vector_load %arg7[%get3A_181, %get3A_182] {strides = array<i32>} : memref<10x768xf32, #tpu.memory_space<vmem>>, vector<1x16xf32>,
        %get3A_184 = vector.shape_cast %get3A_183 : vector<1x16xf32> to vector<16xf32>
        %swap3A = arith.constant 0 : i32
        %swap3A_185 = arith.index_cast %swap3A : i32 to index
        %swap3A_186 = arith.index_cast %mul3A_180 : i32 to index
        %swap3A_187 = tpu.vector_load %arg8[%swap3A_185, %swap3A_186] {strides = array<i32>} : memref<32x768xf32, #tpu.memory_space<vmem>>, vector<1x16xf32>,
        %swap3A_188 = vector.shape_cast %swap3A_187 : vector<1x16xf32> to vector<16xf32>
        %swap3A_189 = vector.shape_cast %get3A_184 : vector<16xf32> to vector<1x16xf32>
        tpu.vector_store %arg8[%swap3A_185, %swap3A_186], %swap3A_189 {strides = array<i32>} : memref<32x768xf32, #tpu.memory_space<vmem>>, vector<1x16xf32>,
        %get3A_190 = arith.constant 1 : i32
        %get3A_191 = arith.index_cast %get3A_190 : i32 to index
        %get3A_192 = arith.index_cast %mul3A_180 : i32 to index
        %get3A_193 = tpu.vector_load %arg7[%get3A_191, %get3A_192] {strides = array<i32>} : memref<10x768xf32, #tpu.memory_space<vmem>>, vector<1x16xf32>,
        %get3A_194 = vector.shape_cast %get3A_193 : vector<1x16xf32> to vector<16xf32>
        %swap3A_195 = arith.constant 1 : i32
        %swap3A_196 = arith.index_cast %swap3A_195 : i32 to index
        %swap3A_197 = arith.index_cast %mul3A_180 : i32 to index
        %swap3A_198 = tpu.vector_load %arg8[%swap3A_196, %swap3A_197] {strides = array<i32>} : memref<32x768xf32, #tpu.memory_space<vmem>>, vector<1x16xf32>,
        %swap3A_199 = vector.shape_cast %swap3A_198 : vector<1x16xf32> to vector<16xf32>
        %swap3A_200 = vector.shape_cast %get3A_194 : vector<16xf32> to vector<1x16xf32>
        tpu.vector_store %arg8[%swap3A_196, %swap3A_197], %swap3A_200 {strides = array<i32>} : memref<32x768xf32, #tpu.memory_space<vmem>>, vector<1x16xf32>,
        %get3A_201 = arith.constant 2 : i32
        %get3A_202 = arith.index_cast %get3A_201 : i32 to index
        %get3A_203 = arith.index_cast %mul3A_180 : i32 to index
        %get3A_204 = tpu.vector_load %arg7[%get3A_202, %get3A_203] {strides = array<i32>} : memref<10x768xf32, #tpu.memory_space<vmem>>, vector<1x16xf32>,
        %get3A_205 = vector.shape_cast %get3A_204 : vector<1x16xf32> to vector<16xf32>
        %swap3A_206 = arith.constant 2 : i32
        %swap3A_207 = arith.index_cast %swap3A_206 : i32 to index
        %swap3A_208 = arith.index_cast %mul3A_180 : i32 to index
        %swap3A_209 = tpu.vector_load %arg8[%swap3A_207, %swap3A_208] {strides = array<i32>} : memref<32x768xf32, #tpu.memory_space<vmem>>, vector<1x16xf32>,
        %swap3A_210 = vector.shape_cast %swap3A_209 : vector<1x16xf32> to vector<16xf32>
        %swap3A_211 = vector.shape_cast %get3A_205 : vector<16xf32> to vector<1x16xf32>
        tpu.vector_store %arg8[%swap3A_207, %swap3A_208], %swap3A_211 {strides = array<i32>} : memref<32x768xf32, #tpu.memory_space<vmem>>, vector<1x16xf32>,
        %get3A_212 = arith.constant 3 : i32
        %get3A_213 = arith.index_cast %get3A_212 : i32 to index
        %get3A_214 = arith.index_cast %mul3A_180 : i32 to index
        %get3A_215 = tpu.vector_load %arg7[%get3A_213, %get3A_214] {strides = array<i32>} : memref<10x768xf32, #tpu.memory_space<vmem>>, vector<1x16xf32>,
        %get3A_216 = vector.shape_cast %get3A_215 : vector<1x16xf32> to vector<16xf32>
        %swap3A_217 = arith.constant 3 : i32
        %swap3A_218 = arith.index_cast %swap3A_217 : i32 to index
        %swap3A_219 = arith.index_cast %mul3A_180 : i32 to index
        %swap3A_220 = tpu.vector_load %arg8[%swap3A_218, %swap3A_219] {strides = array<i32>} : memref<32x768xf32, #tpu.memory_space<vmem>>, vector<1x16xf32>,
        %swap3A_221 = vector.shape_cast %swap3A_220 : vector<1x16xf32> to vector<16xf32>
        %swap3A_222 = vector.shape_cast %get3A_216 : vector<16xf32> to vector<1x16xf32>
        tpu.vector_store %arg8[%swap3A_218, %swap3A_219], %swap3A_222 {strides = array<i32>} : memref<32x768xf32, #tpu.memory_space<vmem>>, vector<1x16xf32>,
        %get3A_223 = arith.constant 4 : i32
        %get3A_224 = arith.index_cast %get3A_223 : i32 to index
        %get3A_225 = arith.index_cast %mul3A_180 : i32 to index
        %get3A_226 = tpu.vector_load %arg7[%get3A_224, %get3A_225] {strides = array<i32>} : memref<10x768xf32, #tpu.memory_space<vmem>>, vector<1x16xf32>,
        %get3A_227 = vector.shape_cast %get3A_226 : vector<1x16xf32> to vector<16xf32>
        %swap3A_228 = arith.constant 4 : i32
        %swap3A_229 = arith.index_cast %swap3A_228 : i32 to index
        %swap3A_230 = arith.index_cast %mul3A_180 : i32 to index
        %swap3A_231 = tpu.vector_load %arg8[%swap3A_229, %swap3A_230] {strides = array<i32>} : memref<32x768xf32, #tpu.memory_space<vmem>>, vector<1x16xf32>,
        %swap3A_232 = vector.shape_cast %swap3A_231 : vector<1x16xf32> to vector<16xf32>
        %swap3A_233 = vector.shape_cast %get3A_227 : vector<16xf32> to vector<1x16xf32>
        tpu.vector_store %arg8[%swap3A_229, %swap3A_230], %swap3A_233 {strides = array<i32>} : memref<32x768xf32, #tpu.memory_space<vmem>>, vector<1x16xf32>,
        %get3A_234 = arith.constant 5 : i32
        %get3A_235 = arith.index_cast %get3A_234 : i32 to index
        %get3A_236 = arith.index_cast %mul3A_180 : i32 to index
        %get3A_237 = tpu.vector_load %arg7[%get3A_235, %get3A_236] {strides = array<i32>} : memref<10x768xf32, #tpu.memory_space<vmem>>, vector<1x16xf32>,
        %get3A_238 = vector.shape_cast %get3A_237 : vector<1x16xf32> to vector<16xf32>
        %swap3A_239 = arith.constant 5 : i32
        %swap3A_240 = arith.index_cast %swap3A_239 : i32 to index
        %swap3A_241 = arith.index_cast %mul3A_180 : i32 to index
        %swap3A_242 = tpu.vector_load %arg8[%swap3A_240, %swap3A_241] {strides = array<i32>} : memref<32x768xf32, #tpu.memory_space<vmem>>, vector<1x16xf32>,
        %swap3A_243 = vector.shape_cast %swap3A_242 : vector<1x16xf32> to vector<16xf32>
        %swap3A_244 = vector.shape_cast %get3A_238 : vector<16xf32> to vector<1x16xf32>
        tpu.vector_store %arg8[%swap3A_240, %swap3A_241], %swap3A_244 {strides = array<i32>} : memref<32x768xf32, #tpu.memory_space<vmem>>, vector<1x16xf32>,
        %get3A_245 = arith.constant 6 : i32
        %get3A_246 = arith.index_cast %get3A_245 : i32 to index
        %get3A_247 = arith.index_cast %mul3A_180 : i32 to index
        %get3A_248 = tpu.vector_load %arg7[%get3A_246, %get3A_247] {strides = array<i32>} : memref<10x768xf32, #tpu.memory_space<vmem>>, vector<1x16xf32>,
        %get3A_249 = vector.shape_cast %get3A_248 : vector<1x16xf32> to vector<16xf32>
        %swap3A_250 = arith.constant 6 : i32
        %swap3A_251 = arith.index_cast %swap3A_250 : i32 to index
        %swap3A_252 = arith.index_cast %mul3A_180 : i32 to index
        %swap3A_253 = tpu.vector_load %arg8[%swap3A_251, %swap3A_252] {strides = array<i32>} : memref<32x768xf32, #tpu.memory_space<vmem>>, vector<1x16xf32>,
        %swap3A_254 = vector.shape_cast %swap3A_253 : vector<1x16xf32> to vector<16xf32>
        %swap3A_255 = vector.shape_cast %get3A_249 : vector<16xf32> to vector<1x16xf32>
        tpu.vector_store %arg8[%swap3A_251, %swap3A_252], %swap3A_255 {strides = array<i32>} : memref<32x768xf32, #tpu.memory_space<vmem>>, vector<1x16xf32>,
        %get3A_256 = arith.constant 7 : i32
        %get3A_257 = arith.index_cast %get3A_256 : i32 to index
        %get3A_258 = arith.index_cast %mul3A_180 : i32 to index
        %get3A_259 = tpu.vector_load %arg7[%get3A_257, %get3A_258] {strides = array<i32>} : memref<10x768xf32, #tpu.memory_space<vmem>>, vector<1x16xf32>,
        %get3A_260 = vector.shape_cast %get3A_259 : vector<1x16xf32> to vector<16xf32>
        %swap3A_261 = arith.constant 7 : i32
        %swap3A_262 = arith.index_cast %swap3A_261 : i32 to index
        %swap3A_263 = arith.index_cast %mul3A_180 : i32 to index
        %swap3A_264 = tpu.vector_load %arg8[%swap3A_262, %swap3A_263] {strides = array<i32>} : memref<32x768xf32, #tpu.memory_space<vmem>>, vector<1x16xf32>,
        %swap3A_265 = vector.shape_cast %swap3A_264 : vector<1x16xf32> to vector<16xf32>
        %swap3A_266 = vector.shape_cast %get3A_260 : vector<16xf32> to vector<1x16xf32>
        tpu.vector_store %arg8[%swap3A_262, %swap3A_263], %swap3A_266 {strides = array<i32>} : memref<32x768xf32, #tpu.memory_space<vmem>>, vector<1x16xf32>,
        %get3A_267 = arith.constant 8 : i32
        %get3A_268 = arith.index_cast %get3A_267 : i32 to index
        %get3A_269 = arith.index_cast %mul3A_180 : i32 to index
        %get3A_270 = tpu.vector_load %arg7[%get3A_268, %get3A_269] {strides = array<i32>} : memref<10x768xf32, #tpu.memory_space<vmem>>, vector<1x16xf32>,
        %get3A_271 = vector.shape_cast %get3A_270 : vector<1x16xf32> to vector<16xf32>
        %swap3A_272 = arith.constant 8 : i32
        %swap3A_273 = arith.index_cast %swap3A_272 : i32 to index
        %swap3A_274 = arith.index_cast %mul3A_180 : i32 to index
        %swap3A_275 = tpu.vector_load %arg8[%swap3A_273, %swap3A_274] {strides = array<i32>} : memref<32x768xf32, #tpu.memory_space<vmem>>, vector<1x16xf32>,
        %swap3A_276 = vector.shape_cast %swap3A_275 : vector<1x16xf32> to vector<16xf32>
        %swap3A_277 = vector.shape_cast %get3A_271 : vector<16xf32> to vector<1x16xf32>
        tpu.vector_store %arg8[%swap3A_273, %swap3A_274], %swap3A_277 {strides = array<i32>} : memref<32x768xf32, #tpu.memory_space<vmem>>, vector<1x16xf32>,
        %get3A_278 = arith.constant 9 : i32
        %get3A_279 = arith.index_cast %get3A_278 : i32 to index
        %get3A_280 = arith.index_cast %mul3A_180 : i32 to index
        %get3A_281 = tpu.vector_load %arg7[%get3A_279, %get3A_280] {strides = array<i32>} : memref<10x768xf32, #tpu.memory_space<vmem>>, vector<1x16xf32>,
        %get3A_282 = vector.shape_cast %get3A_281 : vector<1x16xf32> to vector<16xf32>
        %swap3A_283 = arith.constant 9 : i32
        %swap3A_284 = arith.index_cast %swap3A_283 : i32 to index
        %swap3A_285 = arith.index_cast %mul3A_180 : i32 to index
        %swap3A_286 = tpu.vector_load %arg8[%swap3A_284, %swap3A_285] {strides = array<i32>} : memref<32x768xf32, #tpu.memory_space<vmem>>, vector<1x16xf32>,
        %swap3A_287 = vector.shape_cast %swap3A_286 : vector<1x16xf32> to vector<16xf32>
        %swap3A_288 = vector.shape_cast %get3A_282 : vector<16xf32> to vector<1x16xf32>
        tpu.vector_store %arg8[%swap3A_284, %swap3A_285], %swap3A_288 {strides = array<i32>} : memref<32x768xf32, #tpu.memory_space<vmem>>, vector<1x16xf32>,
      }
      %scan3A_177 = arith.constant 48 : i32
    } else {
    }
    %add3A_33 = arith.constant 0 : i32
    %add3A_34 = arith.addi %mul3A_2, %add3A_33 : i32
    %dma_start3A_35 = arith.constant 0 : i32
    %dma_start3A_36 = tpu.memref_slice %arg5[%add3A_34, %dma_start3A_35] : memref<8192x768xf32, #tpu.memory_space<hbm>> -> memref<32x768xf32, #tpu.memory_space<hbm>>
    %dma_start3A_37 = arith.constant 0 : i32
    %dma_start3A_38 = tpu.memref_slice %arg5[%add3A_34, %dma_start3A_37] : memref<8192x768xf32, #tpu.memory_space<hbm>> -> memref<32x768xf32, #tpu.memory_space<hbm>>
    tpu.enqueue_dma source(%arg8 : memref<32x768xf32, #tpu.memory_space<vmem>>) target(%dma_start3A_38 : memref<32x768xf32, #tpu.memory_space<hbm>>) target_semaphore(%arg16 : memref<!tpu.dma_semaphore, #tpu.memory_space<semaphore_mem>>)
    %dma_start3A_39 = arith.constant 96 : i32
    %dma_start3A_40 = tpu.memref_slice %arg6[%dma_start3A_39] : memref<256xi32, #tpu.memory_space<vmem>> -> memref<32xi32, #tpu.memory_space<vmem>>
    %dma_start3A_41 = arith.constant 0 : i32
    %dma_start3A_42 = arith.constant 0 : i32
    %dma_start3A_43 = tpu.memref_slice %arg3[%dma_start3A_41, %dma_start3A_42] : memref<50257x768xf32, #tpu.memory_space<hbm>> -> memref<50257x768xf32, #tpu.memory_space<hbm>>
    tpu.enqueue_indirect_dma source(%dma_start3A_43 : memref<50257x768xf32, #tpu.memory_space<hbm>>) target(%arg11 : memref<32x768xf32, #tpu.memory_space<vmem>>) offsets(%dma_start3A_40 : memref<32xi32, #tpu.memory_space<vmem>>) semaphore(%arg15 : memref<!tpu.dma_semaphore, #tpu.memory_space<semaphore_mem>>)
    %dma_wait3A_44 = arith.constant 32 : i32
    %dma_wait3A_45 = tpu.memref_slice %arg6[%dma_wait3A_44] : memref<256xi32, #tpu.memory_space<vmem>> -> memref<32xi32, #tpu.memory_space<vmem>>
    %dma_wait3A_46 = arith.constant 0 : i32
    %dma_wait3A_47 = arith.constant 0 : i32
    %dma_wait3A_48 = tpu.memref_slice %arg3[%dma_wait3A_46, %dma_wait3A_47] : memref<50257x768xf32, #tpu.memory_space<hbm>> -> memref<50257x768xf32, #tpu.memory_space<hbm>>
    tpu.wait_indirect_dma semaphore(%arg13 : memref<!tpu.dma_semaphore, #tpu.memory_space<semaphore_mem>>) src(%dma_wait3A_48 : memref<50257x768xf32, #tpu.memory_space<hbm>>) dst(%arg9 : memref<32x768xf32, #tpu.memory_space<vmem>>)
    %add3A_49 = arith.constant 32 : i32
    %add3A_50 = arith.addi %mul3A_2, %add3A_49 : i32
    %dma_start3A_51 = arith.constant 0 : i32
    %dma_start3A_52 = tpu.memref_slice %arg5[%add3A_50, %dma_start3A_51] : memref<8192x768xf32, #tpu.memory_space<hbm>> -> memref<32x768xf32, #tpu.memory_space<hbm>>
    %dma_start3A_53 = arith.constant 0 : i32
    %dma_start3A_54 = tpu.memref_slice %arg5[%add3A_50, %dma_start3A_53] : memref<8192x768xf32, #tpu.memory_space<hbm>> -> memref<32x768xf32, #tpu.memory_space<hbm>>
    tpu.enqueue_dma source(%arg9 : memref<32x768xf32, #tpu.memory_space<vmem>>) target(%dma_start3A_54 : memref<32x768xf32, #tpu.memory_space<hbm>>) target_semaphore(%arg17 : memref<!tpu.dma_semaphore, #tpu.memory_space<semaphore_mem>>)
    %dma_wait3A_55 = arith.constant 0 : i32
    %dma_wait3A_56 = tpu.memref_slice %arg5[%add3A_34, %dma_wait3A_55] : memref<8192x768xf32, #tpu.memory_space<hbm>> -> memref<32x768xf32, #tpu.memory_space<hbm>>
    %dma_wait3A_57 = arith.constant 0 : i32
    %dma_wait3A_58 = tpu.memref_slice %arg5[%add3A_34, %dma_wait3A_57] : memref<8192x768xf32, #tpu.memory_space<hbm>> -> memref<32x768xf32, #tpu.memory_space<hbm>>
    tpu.wait_dma2 semaphore(%arg16 : memref<!tpu.dma_semaphore, #tpu.memory_space<semaphore_mem>>) src(%arg8 : memref<32x768xf32, #tpu.memory_space<vmem>>) dst(%dma_wait3A_58 : memref<32x768xf32, #tpu.memory_space<hbm>>)
    %dma_start3A_59 = arith.constant 128 : i32
    %dma_start3A_60 = tpu.memref_slice %arg6[%dma_start3A_59] : memref<256xi32, #tpu.memory_space<vmem>> -> memref<32xi32, #tpu.memory_space<vmem>>
    %dma_start3A_61 = arith.constant 0 : i32
    %dma_start3A_62 = arith.constant 0 : i32
    %dma_start3A_63 = tpu.memref_slice %arg3[%dma_start3A_61, %dma_start3A_62] : memref<50257x768xf32, #tpu.memory_space<hbm>> -> memref<50257x768xf32, #tpu.memory_space<hbm>>
    tpu.enqueue_indirect_dma source(%dma_start3A_63 : memref<50257x768xf32, #tpu.memory_space<hbm>>) target(%arg8 : memref<32x768xf32, #tpu.memory_space<vmem>>) offsets(%dma_start3A_60 : memref<32xi32, #tpu.memory_space<vmem>>) semaphore(%arg12 : memref<!tpu.dma_semaphore, #tpu.memory_space<semaphore_mem>>)
    %dma_wait3A_64 = arith.constant 64 : i32
    %dma_wait3A_65 = tpu.memref_slice %arg6[%dma_wait3A_64] : memref<256xi32, #tpu.memory_space<vmem>> -> memref<32xi32, #tpu.memory_space<vmem>>
    %dma_wait3A_66 = arith.constant 0 : i32
    %dma_wait3A_67 = arith.constant 0 : i32
    %dma_wait3A_68 = tpu.memref_slice %arg3[%dma_wait3A_66, %dma_wait3A_67] : memref<50257x768xf32, #tpu.memory_space<hbm>> -> memref<50257x768xf32, #tpu.memory_space<hbm>>
    tpu.wait_indirect_dma semaphore(%arg14 : memref<!tpu.dma_semaphore, #tpu.memory_space<semaphore_mem>>) src(%dma_wait3A_68 : memref<50257x768xf32, #tpu.memory_space<hbm>>) dst(%arg10 : memref<32x768xf32, #tpu.memory_space<vmem>>)
    %add3A_69 = arith.constant 64 : i32
    %add3A_70 = arith.addi %mul3A_2, %add3A_69 : i32
    %dma_start3A_71 = arith.constant 0 : i32
    %dma_start3A_72 = tpu.memref_slice %arg5[%add3A_70, %dma_start3A_71] : memref<8192x768xf32, #tpu.memory_space<hbm>> -> memref<32x768xf32, #tpu.memory_space<hbm>>
    %dma_start3A_73 = arith.constant 0 : i32
    %dma_start3A_74 = tpu.memref_slice %arg5[%add3A_70, %dma_start3A_73] : memref<8192x768xf32, #tpu.memory_space<hbm>> -> memref<32x768xf32, #tpu.memory_space<hbm>>
    tpu.enqueue_dma source(%arg10 : memref<32x768xf32, #tpu.memory_space<vmem>>) target(%dma_start3A_74 : memref<32x768xf32, #tpu.memory_space<hbm>>) target_semaphore(%arg18 : memref<!tpu.dma_semaphore, #tpu.memory_space<semaphore_mem>>)
    %dma_wait3A_75 = arith.constant 0 : i32
    %dma_wait3A_76 = tpu.memref_slice %arg5[%add3A_50, %dma_wait3A_75] : memref<8192x768xf32, #tpu.memory_space<hbm>> -> memref<32x768xf32, #tpu.memory_space<hbm>>
    %dma_wait3A_77 = arith.constant 0 : i32
    %dma_wait3A_78 = tpu.memref_slice %arg5[%add3A_50, %dma_wait3A_77] : memref<8192x768xf32, #tpu.memory_space<hbm>> -> memref<32x768xf32, #tpu.memory_space<hbm>>
    tpu.wait_dma2 semaphore(%arg17 : memref<!tpu.dma_semaphore, #tpu.memory_space<semaphore_mem>>) src(%arg9 : memref<32x768xf32, #tpu.memory_space<vmem>>) dst(%dma_wait3A_78 : memref<32x768xf32, #tpu.memory_space<hbm>>)
    %dma_start3A_79 = arith.constant 160 : i32
    %dma_start3A_80 = tpu.memref_slice %arg6[%dma_start3A_79] : memref<256xi32, #tpu.memory_space<vmem>> -> memref<32xi32, #tpu.memory_space<vmem>>
    %dma_start3A_81 = arith.constant 0 : i32
    %dma_start3A_82 = arith.constant 0 : i32
    %dma_start3A_83 = tpu.memref_slice %arg3[%dma_start3A_81, %dma_start3A_82] : memref<50257x768xf32, #tpu.memory_space<hbm>> -> memref<50257x768xf32, #tpu.memory_space<hbm>>
    tpu.enqueue_indirect_dma source(%dma_start3A_83 : memref<50257x768xf32, #tpu.memory_space<hbm>>) target(%arg9 : memref<32x768xf32, #tpu.memory_space<vmem>>) offsets(%dma_start3A_80 : memref<32xi32, #tpu.memory_space<vmem>>) semaphore(%arg13 : memref<!tpu.dma_semaphore, #tpu.memory_space<semaphore_mem>>)
    %dma_wait3A_84 = arith.constant 96 : i32
    %dma_wait3A_85 = tpu.memref_slice %arg6[%dma_wait3A_84] : memref<256xi32, #tpu.memory_space<vmem>> -> memref<32xi32, #tpu.memory_space<vmem>>
    %dma_wait3A_86 = arith.constant 0 : i32
    %dma_wait3A_87 = arith.constant 0 : i32
    %dma_wait3A_88 = tpu.memref_slice %arg3[%dma_wait3A_86, %dma_wait3A_87] : memref<50257x768xf32, #tpu.memory_space<hbm>> -> memref<50257x768xf32, #tpu.memory_space<hbm>>
    tpu.wait_indirect_dma semaphore(%arg15 : memref<!tpu.dma_semaphore, #tpu.memory_space<semaphore_mem>>) src(%dma_wait3A_88 : memref<50257x768xf32, #tpu.memory_space<hbm>>) dst(%arg11 : memref<32x768xf32, #tpu.memory_space<vmem>>)
    %add3A_89 = arith.constant 96 : i32
    %add3A_90 = arith.addi %mul3A_2, %add3A_89 : i32
    %dma_start3A_91 = arith.constant 0 : i32
    %dma_start3A_92 = tpu.memref_slice %arg5[%add3A_90, %dma_start3A_91] : memref<8192x768xf32, #tpu.memory_space<hbm>> -> memref<32x768xf32, #tpu.memory_space<hbm>>
    %dma_start3A_93 = arith.constant 0 : i32
    %dma_start3A_94 = tpu.memref_slice %arg5[%add3A_90, %dma_start3A_93] : memref<8192x768xf32, #tpu.memory_space<hbm>> -> memref<32x768xf32, #tpu.memory_space<hbm>>
    tpu.enqueue_dma source(%arg11 : memref<32x768xf32, #tpu.memory_space<vmem>>) target(%dma_start3A_94 : memref<32x768xf32, #tpu.memory_space<hbm>>) target_semaphore(%arg19 : memref<!tpu.dma_semaphore, #tpu.memory_space<semaphore_mem>>)
    %dma_wait3A_95 = arith.constant 0 : i32
    %dma_wait3A_96 = tpu.memref_slice %arg5[%add3A_70, %dma_wait3A_95] : memref<8192x768xf32, #tpu.memory_space<hbm>> -> memref<32x768xf32, #tpu.memory_space<hbm>>
    %dma_wait3A_97 = arith.constant 0 : i32
    %dma_wait3A_98 = tpu.memref_slice %arg5[%add3A_70, %dma_wait3A_97] : memref<8192x768xf32, #tpu.memory_space<hbm>> -> memref<32x768xf32, #tpu.memory_space<hbm>>
    tpu.wait_dma2 semaphore(%arg18 : memref<!tpu.dma_semaphore, #tpu.memory_space<semaphore_mem>>) src(%arg10 : memref<32x768xf32, #tpu.memory_space<vmem>>) dst(%dma_wait3A_98 : memref<32x768xf32, #tpu.memory_space<hbm>>)
    %dma_start3A_99 = arith.constant 192 : i32
    %dma_start3A_100 = tpu.memref_slice %arg6[%dma_start3A_99] : memref<256xi32, #tpu.memory_space<vmem>> -> memref<32xi32, #tpu.memory_space<vmem>>
    %dma_start3A_101 = arith.constant 0 : i32
    %dma_start3A_102 = arith.constant 0 : i32
    %dma_start3A_103 = tpu.memref_slice %arg3[%dma_start3A_101, %dma_start3A_102] : memref<50257x768xf32, #tpu.memory_space<hbm>> -> memref<50257x768xf32, #tpu.memory_space<hbm>>
    tpu.enqueue_indirect_dma source(%dma_start3A_103 : memref<50257x768xf32, #tpu.memory_space<hbm>>) target(%arg10 : memref<32x768xf32, #tpu.memory_space<vmem>>) offsets(%dma_start3A_100 : memref<32xi32, #tpu.memory_space<vmem>>) semaphore(%arg14 : memref<!tpu.dma_semaphore, #tpu.memory_space<semaphore_mem>>)
    %dma_wait3A_104 = arith.constant 128 : i32
    %dma_wait3A_105 = tpu.memref_slice %arg6[%dma_wait3A_104] : memref<256xi32, #tpu.memory_space<vmem>> -> memref<32xi32, #tpu.memory_space<vmem>>
    %dma_wait3A_106 = arith.constant 0 : i32
    %dma_wait3A_107 = arith.constant 0 : i32
    %dma_wait3A_108 = tpu.memref_slice %arg3[%dma_wait3A_106, %dma_wait3A_107] : memref<50257x768xf32, #tpu.memory_space<hbm>> -> memref<50257x768xf32, #tpu.memory_space<hbm>>
    tpu.wait_indirect_dma semaphore(%arg12 : memref<!tpu.dma_semaphore, #tpu.memory_space<semaphore_mem>>) src(%dma_wait3A_108 : memref<50257x768xf32, #tpu.memory_space<hbm>>) dst(%arg8 : memref<32x768xf32, #tpu.memory_space<vmem>>)
    %add3A_109 = arith.constant 128 : i32
    %add3A_110 = arith.addi %mul3A_2, %add3A_109 : i32
    %dma_start3A_111 = arith.constant 0 : i32
    %dma_start3A_112 = tpu.memref_slice %arg5[%add3A_110, %dma_start3A_111] : memref<8192x768xf32, #tpu.memory_space<hbm>> -> memref<32x768xf32, #tpu.memory_space<hbm>>
    %dma_start3A_113 = arith.constant 0 : i32
    %dma_start3A_114 = tpu.memref_slice %arg5[%add3A_110, %dma_start3A_113] : memref<8192x768xf32, #tpu.memory_space<hbm>> -> memref<32x768xf32, #tpu.memory_space<hbm>>
    tpu.enqueue_dma source(%arg8 : memref<32x768xf32, #tpu.memory_space<vmem>>) target(%dma_start3A_114 : memref<32x768xf32, #tpu.memory_space<hbm>>) target_semaphore(%arg16 : memref<!tpu.dma_semaphore, #tpu.memory_space<semaphore_mem>>)
    %dma_wait3A_115 = arith.constant 0 : i32
    %dma_wait3A_116 = tpu.memref_slice %arg5[%add3A_90, %dma_wait3A_115] : memref<8192x768xf32, #tpu.memory_space<hbm>> -> memref<32x768xf32, #tpu.memory_space<hbm>>
    %dma_wait3A_117 = arith.constant 0 : i32
    %dma_wait3A_118 = tpu.memref_slice %arg5[%add3A_90, %dma_wait3A_117] : memref<8192x768xf32, #tpu.memory_space<hbm>> -> memref<32x768xf32, #tpu.memory_space<hbm>>
    tpu.wait_dma2 semaphore(%arg19 : memref<!tpu.dma_semaphore, #tpu.memory_space<semaphore_mem>>) src(%arg11 : memref<32x768xf32, #tpu.memory_space<vmem>>) dst(%dma_wait3A_118 : memref<32x768xf32, #tpu.memory_space<hbm>>)
    %dma_start3A_119 = arith.constant 224 : i32
    %dma_start3A_120 = tpu.memref_slice %arg6[%dma_start3A_119] : memref<256xi32, #tpu.memory_space<vmem>> -> memref<32xi32, #tpu.memory_space<vmem>>
    %dma_start3A_121 = arith.constant 0 : i32
    %dma_start3A_122 = arith.constant 0 : i32
    %dma_start3A_123 = tpu.memref_slice %arg3[%dma_start3A_121, %dma_start3A_122] : memref<50257x768xf32, #tpu.memory_space<hbm>> -> memref<50257x768xf32, #tpu.memory_space<hbm>>
    tpu.enqueue_indirect_dma source(%dma_start3A_123 : memref<50257x768xf32, #tpu.memory_space<hbm>>) target(%arg11 : memref<32x768xf32, #tpu.memory_space<vmem>>) offsets(%dma_start3A_120 : memref<32xi32, #tpu.memory_space<vmem>>) semaphore(%arg15 : memref<!tpu.dma_semaphore, #tpu.memory_space<semaphore_mem>>)
    %dma_wait3A_124 = arith.constant 160 : i32
    %dma_wait3A_125 = tpu.memref_slice %arg6[%dma_wait3A_124] : memref<256xi32, #tpu.memory_space<vmem>> -> memref<32xi32, #tpu.memory_space<vmem>>
    %dma_wait3A_126 = arith.constant 0 : i32
    %dma_wait3A_127 = arith.constant 0 : i32
    %dma_wait3A_128 = tpu.memref_slice %arg3[%dma_wait3A_126, %dma_wait3A_127] : memref<50257x768xf32, #tpu.memory_space<hbm>> -> memref<50257x768xf32, #tpu.memory_space<hbm>>
    tpu.wait_indirect_dma semaphore(%arg13 : memref<!tpu.dma_semaphore, #tpu.memory_space<semaphore_mem>>) src(%dma_wait3A_128 : memref<50257x768xf32, #tpu.memory_space<hbm>>) dst(%arg9 : memref<32x768xf32, #tpu.memory_space<vmem>>)
    %add3A_129 = arith.constant 160 : i32
    %add3A_130 = arith.addi %mul3A_2, %add3A_129 : i32
    %dma_start3A_131 = arith.constant 0 : i32
    %dma_start3A_132 = tpu.memref_slice %arg5[%add3A_130, %dma_start3A_131] : memref<8192x768xf32, #tpu.memory_space<hbm>> -> memref<32x768xf32, #tpu.memory_space<hbm>>
    %dma_start3A_133 = arith.constant 0 : i32
    %dma_start3A_134 = tpu.memref_slice %arg5[%add3A_130, %dma_start3A_133] : memref<8192x768xf32, #tpu.memory_space<hbm>> -> memref<32x768xf32, #tpu.memory_space<hbm>>
    tpu.enqueue_dma source(%arg9 : memref<32x768xf32, #tpu.memory_space<vmem>>) target(%dma_start3A_134 : memref<32x768xf32, #tpu.memory_space<hbm>>) target_semaphore(%arg17 : memref<!tpu.dma_semaphore, #tpu.memory_space<semaphore_mem>>)
    %dma_wait3A_135 = arith.constant 192 : i32
    %dma_wait3A_136 = tpu.memref_slice %arg6[%dma_wait3A_135] : memref<256xi32, #tpu.memory_space<vmem>> -> memref<32xi32, #tpu.memory_space<vmem>>
    %dma_wait3A_137 = arith.constant 0 : i32
    %dma_wait3A_138 = arith.constant 0 : i32
    %dma_wait3A_139 = tpu.memref_slice %arg3[%dma_wait3A_137, %dma_wait3A_138] : memref<50257x768xf32, #tpu.memory_space<hbm>> -> memref<50257x768xf32, #tpu.memory_space<hbm>>
    tpu.wait_indirect_dma semaphore(%arg14 : memref<!tpu.dma_semaphore, #tpu.memory_space<semaphore_mem>>) src(%dma_wait3A_139 : memref<50257x768xf32, #tpu.memory_space<hbm>>) dst(%arg10 : memref<32x768xf32, #tpu.memory_space<vmem>>)
    %add3A_140 = arith.constant 192 : i32
    %add3A_141 = arith.addi %mul3A_2, %add3A_140 : i32
    %dma_start3A_142 = arith.constant 0 : i32
    %dma_start3A_143 = tpu.memref_slice %arg5[%add3A_141, %dma_start3A_142] : memref<8192x768xf32, #tpu.memory_space<hbm>> -> memref<32x768xf32, #tpu.memory_space<hbm>>
    %dma_start3A_144 = arith.constant 0 : i32
    %dma_start3A_145 = tpu.memref_slice %arg5[%add3A_141, %dma_start3A_144] : memref<8192x768xf32, #tpu.memory_space<hbm>> -> memref<32x768xf32, #tpu.memory_space<hbm>>
    tpu.enqueue_dma source(%arg10 : memref<32x768xf32, #tpu.memory_space<vmem>>) target(%dma_start3A_145 : memref<32x768xf32, #tpu.memory_space<hbm>>) target_semaphore(%arg18 : memref<!tpu.dma_semaphore, #tpu.memory_space<semaphore_mem>>)
    %dma_wait3A_146 = arith.constant 224 : i32
    %dma_wait3A_147 = tpu.memref_slice %arg6[%dma_wait3A_146] : memref<256xi32, #tpu.memory_space<vmem>> -> memref<32xi32, #tpu.memory_space<vmem>>
    %dma_wait3A_148 = arith.constant 0 : i32
    %dma_wait3A_149 = arith.constant 0 : i32
    %dma_wait3A_150 = tpu.memref_slice %arg3[%dma_wait3A_148, %dma_wait3A_149] : memref<50257x768xf32, #tpu.memory_space<hbm>> -> memref<50257x768xf32, #tpu.memory_space<hbm>>
    tpu.wait_indirect_dma semaphore(%arg15 : memref<!tpu.dma_semaphore, #tpu.memory_space<semaphore_mem>>) src(%dma_wait3A_150 : memref<50257x768xf32, #tpu.memory_space<hbm>>) dst(%arg11 : memref<32x768xf32, #tpu.memory_space<vmem>>)
    %add3A_151 = arith.constant 224 : i32
    %add3A_152 = arith.addi %mul3A_2, %add3A_151 : i32
    %dma_start3A_153 = arith.constant 0 : i32
    %dma_start3A_154 = tpu.memref_slice %arg5[%add3A_152, %dma_start3A_153] : memref<8192x768xf32, #tpu.memory_space<hbm>> -> memref<32x768xf32, #tpu.memory_space<hbm>>
    %dma_start3A_155 = arith.constant 0 : i32
    %dma_start3A_156 = tpu.memref_slice %arg5[%add3A_152, %dma_start3A_155] : memref<8192x768xf32, #tpu.memory_space<hbm>> -> memref<32x768xf32, #tpu.memory_space<hbm>>
    tpu.enqueue_dma source(%arg11 : memref<32x768xf32, #tpu.memory_space<vmem>>) target(%dma_start3A_156 : memref<32x768xf32, #tpu.memory_space<hbm>>) target_semaphore(%arg19 : memref<!tpu.dma_semaphore, #tpu.memory_space<semaphore_mem>>)
    %dma_wait3A_157 = arith.constant 0 : i32
    %dma_wait3A_158 = tpu.memref_slice %arg5[%add3A_110, %dma_wait3A_157] : memref<8192x768xf32, #tpu.memory_space<hbm>> -> memref<32x768xf32, #tpu.memory_space<hbm>>
    %dma_wait3A_159 = arith.constant 0 : i32
    %dma_wait3A_160 = tpu.memref_slice %arg5[%add3A_110, %dma_wait3A_159] : memref<8192x768xf32, #tpu.memory_space<hbm>> -> memref<32x768xf32, #tpu.memory_space<hbm>>
    tpu.wait_dma2 semaphore(%arg16 : memref<!tpu.dma_semaphore, #tpu.memory_space<semaphore_mem>>) src(%arg8 : memref<32x768xf32, #tpu.memory_space<vmem>>) dst(%dma_wait3A_160 : memref<32x768xf32, #tpu.memory_space<hbm>>)
    %dma_wait3A_161 = arith.constant 0 : i32
    %dma_wait3A_162 = tpu.memref_slice %arg5[%add3A_130, %dma_wait3A_161] : memref<8192x768xf32, #tpu.memory_space<hbm>> -> memref<32x768xf32, #tpu.memory_space<hbm>>
    %dma_wait3A_163 = arith.constant 0 : i32
    %dma_wait3A_164 = tpu.memref_slice %arg5[%add3A_130, %dma_wait3A_163] : memref<8192x768xf32, #tpu.memory_space<hbm>> -> memref<32x768xf32, #tpu.memory_space<hbm>>
    tpu.wait_dma2 semaphore(%arg17 : memref<!tpu.dma_semaphore, #tpu.memory_space<semaphore_mem>>) src(%arg9 : memref<32x768xf32, #tpu.memory_space<vmem>>) dst(%dma_wait3A_164 : memref<32x768xf32, #tpu.memory_space<hbm>>)
    %dma_wait3A_165 = arith.constant 0 : i32
    %dma_wait3A_166 = tpu.memref_slice %arg5[%add3A_141, %dma_wait3A_165] : memref<8192x768xf32, #tpu.memory_space<hbm>> -> memref<32x768xf32, #tpu.memory_space<hbm>>
    %dma_wait3A_167 = arith.constant 0 : i32
    %dma_wait3A_168 = tpu.memref_slice %arg5[%add3A_141, %dma_wait3A_167] : memref<8192x768xf32, #tpu.memory_space<hbm>> -> memref<32x768xf32, #tpu.memory_space<hbm>>
    tpu.wait_dma2 semaphore(%arg18 : memref<!tpu.dma_semaphore, #tpu.memory_space<semaphore_mem>>) src(%arg10 : memref<32x768xf32, #tpu.memory_space<vmem>>) dst(%dma_wait3A_168 : memref<32x768xf32, #tpu.memory_space<hbm>>)
    %dma_wait3A_169 = arith.constant 0 : i32
    %dma_wait3A_170 = tpu.memref_slice %arg5[%add3A_152, %dma_wait3A_169] : memref<8192x768xf32, #tpu.memory_space<hbm>> -> memref<32x768xf32, #tpu.memory_space<hbm>>
    %dma_wait3A_171 = arith.constant 0 : i32
    %dma_wait3A_172 = tpu.memref_slice %arg5[%add3A_152, %dma_wait3A_171] : memref<8192x768xf32, #tpu.memory_space<hbm>> -> memref<32x768xf32, #tpu.memory_space<hbm>>
    tpu.wait_dma2 semaphore(%arg19 : memref<!tpu.dma_semaphore, #tpu.memory_space<semaphore_mem>>) src(%arg11 : memref<32x768xf32, #tpu.memory_space<vmem>>) dst(%dma_wait3A_172 : memref<32x768xf32, #tpu.memory_space<hbm>>)
    return
  }
}

</mosaic_0001>

<sc_bundles>
// kernel: kernel.3.cloned.1.call-start
scs
__scs_entry_jumppad:
0x0: {  	(pc) =	sbr.rel $0x88, $3  }
0x1: {  	(tag) =	ssettag $0x0;
	lr =	simm.s32 $0x1  }
0x2: {  	[smem:$0x3F9E] =	sst lr;
	_ =	strace $0xD0000000  }
0x3: {  	_ = 	snop  }
0x4: {  	_ = 	snop  }
0x5: {  	_ = 	snop  }
0x6: {  	_ = 	snop  }
0x7: {  	_ = 	snop  }
__scs_overlays_trampoline_lowered:
0x8: {  	[smem:$0x3FAD] =	sst s0  }
0x9: {  	[smem:$0x3FAE] =	sst s1  }
0xa: {  	[smem:$0x3FAF] =	sst s2  }
0xb: {  	[smem:$0x3FB0] =	sst s3  }
0xc: {  	[smem:$0x3FB1] =	sst s4  }
0xd: {  	[smem:$0x3FB2] =	sst s5  }
0xe: {  	[smem:$0x3FB3] =	sst s6  }
0xf: {  	[smem:$0x3FB4] =	sst s7  }
0x10: {  	[smem:$0x3FB5] =	sst s8  }
0x11: {  	[smem:$0x3FB6] =	sst s9;
	s0 =	simm.s32 @!p0 $0x0  }
0x12: {  	s1 =	sld [smem:$0x3F9C];
	s0 =	simm.s32 @p0 $0x1  }
0x13: {  	[smem:$0x3FB7] =	sst s0;
	s0 =	simm.s32 @!p1 $0x0  }
0x14: {  	s2 =	sld [smem:$0x3F9B];
	s0 =	simm.s32 @p1 $0x1  }
0x15: {  	[smem:$0x3FB8] =	sst s0;
	s0 =	simm.s32 @!p2 $0x0  }
0x16: {  	s3 =	sld [smem:$0x3FDB];
	s0 =	simm.s32 @p2 $0x1  }
0x17: {  	s4 =	simm.s32 $0x1BF5;
	[smem:$0x3FBA] =	sst s0  }
0x18: {  	s0 =	sld [smem:$0x3F9D];
	_ =	swait.ge [sflag:s4], $0x0  }
0x19: {  	s7 =	sld [smem:$0x3F9E]  }
0x1a: {  	s8 =	sadd.s32 $0xFFFFE003, lr  }
0x1b: {  	s9 =	sadd.s32 $0xFFFFFEF7, lr;
	s5 =	simm.s32 $0xFFFFFFFF;
	p2 =	slt.u32 s8, $0xFFFFF086  }
0x1c: {  	p1 =	slt.u32 s9, $0xF7A;
	s5 =	simm.s32 @!p2 $0x0  }
0x1d: {  	s5 =	simm.s32 @p1 $0x1;
	p0 =	seq.s32 s7, s2  }
0x1e: {  	s7 =	smul.u32 @!p0 $0xF7A, s2;
	p2 =	seq.s32 @!p0 s5, $0x0  }
0x1f: {  	s9 =	smul.u32 $0xF7A, s1;
	s8 =	simm.s32 @!p0 $0x1BF5;
	p2 =	por !p2, p0  }
0x20: {  	[sflag:s8] =	ssyncset.s32 @!p0 $0xFFFFF086;
	s6 =	sadd.s32 @!p0 s3, s7;
	s7 =	simm.s32 @!p0 $0x108  }
0x21: {  	s3 =	sadd.s32 s3, s9;
	s6 =	sadd.s32 @!p0 $0x88, s6;
	s7 =	simm.s32 @p2 $0x1082  }
0x22: {  	[simem:s7], [sflag:s8] =	dma.local @!p0 [hbm:s6], $0xF7A  }
0x23: {  	s9 =	sor.u32 $0xD0000000, s2;
	s6 =	simm.s32 $0x108;
	_ =	swait.ge @!p0 [sflag:s8], $0x0  }
0x24: {  	s3 =	sadd.s32 $0x88, s3;
	s6 =	simm.s32 @!p1 $0x1082;
	[sflag:s4] =	ssyncset.s32 $0xFFFFF086  }
0x25: {  	[simem:s6], [sflag:s4] =	dma.local [hbm:s3], $0xF7A  }
0x26: {  	[smem:$0x3F9E] =	sst s1;
	(tag) =	ssettag s2;
	_ =	strace s9  }
0x27: {  	s1 =	sld [smem:$0x3FAE]  }
0x28: {  	s2 =	sld [smem:$0x3FAF]  }
0x29: {  	s4 =	sld [smem:$0x3FB1]  }
0x2a: {  	p0 =	seq.s32 s5, $0x0;
	s5 =	sld [smem:$0x3FB2]  }
0x2b: {  	s6 =	sld [smem:$0x3FB3]  }
0x2c: {  	s7 =	sld [smem:$0x3FB4]  }
0x2d: {  	s3 =	simm.s32 $0x108;
	s8 =	sld [smem:$0x3FB5]  }
0x2e: {  	s3 =	simm.s32 @!p0 $0x1082;
	s9 =	sld [smem:$0x3FB6]  }
0x2f: {  	lr =	sadd.s32 s0, s3;
	s0 =	sld [smem:$0x3FAD]  }
0x30: {  	s3 =	sld [smem:$0x3FB0]  }
0x31: {  	[smem:$0x3FB9] =	sst s10  }
0x32: {  	s10 =	sld [smem:$0x3FB7];
	_ =	sdelay $0x3  }
0x33: {  	p0 =	seq.s32 s10, $0x1;
	s10 =	sld [smem:$0x3FB9];
	_ =	sdelay $0x3  }
0x34: {  	[smem:$0x3FB9] =	sst s10  }
0x35: {  	s10 =	sld [smem:$0x3FB8];
	_ =	sdelay $0x3  }
0x36: {  	p1 =	seq.s32 s10, $0x1;
	s10 =	sld [smem:$0x3FB9];
	_ =	sdelay $0x3  }
0x37: {  	[smem:$0x3FB9] =	sst s10  }
0x38: {  	s10 =	sld [smem:$0x3FBA]  }
0x39: {  	_ = 	snop;
	(pc) =	sbr.ind lr, $3  }
0x3a: {  	_ = 	snop  }
0x3b: {  	_ = 	snop  }
0x3c: {  	p2 =	seq.s32 s10, $0x1;
	s10 =	sld [smem:$0x3FB9]  }
0x3d: {  	_ =	shalt  }
0x3e: {  	_ =	shalt  }
0x3f: {  	_ =	shalt  }
0x40: {  	_ =	shalt  }
0x41: {  	_ =	shalt  }
0x42: {  	_ =	shalt  }
0x43: {  	_ =	shalt  }
0x44: {  	_ =	shalt  }
0x45: {  	_ =	shalt  }
0x46: {  	_ =	shalt  }
0x47: {  	_ =	shalt  }
0x48: {  	_ =	shalt  }
0x49: {  	_ =	shalt  }
0x4a: {  	_ =	shalt  }
0x4b: {  	_ =	shalt  }
0x4c: {  	_ =	shalt  }
0x4d: {  	_ =	shalt  }
0x4e: {  	_ =	shalt  }
0x4f: {  	_ =	shalt  }
0x50: {  	_ =	shalt  }
0x51: {  	_ =	shalt  }
0x52: {  	_ =	shalt  }
0x53: {  	_ =	shalt  }
0x54: {  	_ =	shalt  }
0x55: {  	_ =	shalt  }
0x56: {  	_ =	shalt  }
0x57: {  	_ =	shalt  }
0x58: {  	_ =	shalt  }
0x59: {  	_ =	shalt  }
0x5a: {  	_ =	shalt  }
0x5b: {  	_ =	shalt  }
0x5c: {  	_ =	shalt  }
0x5d: {  	_ =	shalt  }
0x5e: {  	_ =	shalt  }
0x5f: {  	_ =	shalt  }
0x60: {  	_ =	shalt  }
0x61: {  	_ =	shalt  }
0x62: {  	_ =	shalt  }
0x63: {  	_ =	shalt  }
0x64: {  	_ =	shalt  }
0x65: {  	_ =	shalt  }
0x66: {  	_ =	shalt  }
0x67: {  	_ =	shalt  }
0x68: {  	_ =	shalt  }
0x69: {  	_ =	shalt  }
0x6a: {  	_ =	shalt  }
0x6b: {  	_ =	shalt  }
0x6c: {  	_ =	shalt  }
0x6d: {  	_ =	shalt  }
0x6e: {  	_ =	shalt  }
0x6f: {  	_ =	shalt  }
0x70: {  	_ =	shalt  }
0x71: {  	_ =	shalt  }
0x72: {  	_ =	shalt  }
0x73: {  	_ =	shalt  }
0x74: {  	_ =	shalt  }
0x75: {  	_ =	shalt  }
0x76: {  	_ =	shalt  }
0x77: {  	_ =	shalt  }
0x78: {  	_ =	shalt  }
0x79: {  	_ =	shalt  }
0x7a: {  	_ =	shalt  }
0x7b: {  	_ =	shalt  }
0x7c: {  	_ =	shalt  }
0x7d: {  	_ =	shalt  }
0x7e: {  	_ =	shalt  }
0x7f: {  	_ =	shalt  }
0x80: {  	_ =	shalt  }
0x81: {  	_ =	shalt  }
0x82: {  	_ =	shalt  }
0x83: {  	_ =	shalt  }
0x84: {  	_ =	shalt  }
0x85: {  	_ =	shalt  }
0x86: {  	_ =	shalt  }
0x87: {  	_ =	shalt  }
.Lfunc_end0:
.L_simem_size_0:
called_computation_lowered:
.L_overlay_start_0:
0x88: {  	s2 =	sld [smem:$0x3FD9]  }
0x89: {  	s3 =	sld [smem:$0x3FFE];
	_ =	sdelay $0x1  }
0x8a: {  	s1 =	srdreg.scid  }
0x8b: {  	s0 =	sand.u32 $0x1, s1  }
0x8c: {  	s17 =	sshll.u32 s0, $0xA;
	s2 =	sadd.s32 s3, s2  }
0x8d: {  	s2 =	sadd.s32 s2, s17  }
0x8e: {  	[smem:$0x3FC5] =	sst s2  }
0x8f: {  	_ = 	snop  }
0x90: {  	s2 =	sld [smem:$0x3FC8]  }
0x91: {  	s18 =	sld [smem:$0x3FC7]  }
0x92: {  	s4 =	sld [smem:$0x3FD0];
	(tm) =	ssettm $0x1  }
0x93: {  	s5 =	sld [smem:$0x3FFB];
	_ =	sdelay $0x3  }
0x94: {  	_ =	strace s5  }
0x95: {  	s5 =	sld [smem:$0x3FFC];
	_ =	sdelay $0x3  }
0x96: {  	_ =	strace s5  }
0x97: {  	s5 =	sld [smem:$0x3FFD];
	_ =	sdelay $0x3  }
0x98: {  	_ =	strace s5  }
0x99: {  	_ =	strace $0x8FFFFFFF  }
0x9a: {  	s19 =	sld [smem:$0x3FDB];
	_ =	sdelay $0x1  }
0x9b: {  	s6 =	simm.s32 $_scs_section_size  }
0x9c: {  	s7 =	simm.s32 $_size__tile_overlayer_lowered;
	s8 =	simm.s32 $_tile_overlayer_lowered  }
0x9d: {  	s22 =	simm.s32 $0x1BFF;
	s21 =	sshll.u32 s8, $0x1;
	s5 =	sadd.s32 s6, s19  }
0x9e: {  	s9 =	simm.s32 $0x0;
	s20 =	sshll.u32 s7, $0x1;
	s7 =	sadd.s32 s21, s5  }
0x9f: {  	[timem:s9], [sflag:s22] =	dma.local [hbm:s7], s20  }
0xa0: {  	_ =	swait.ge [sflag:s22], s20  }
0xa1: {  	s6 =	ssub.s32 $0x0, s20;
	[sflag:s22] =	ssyncset.done $0x0  }
0xa2: {  	[sflag:s22] =	ssyncadd.s32 s6;
	_ =	sdelay $0x1  }
0xa3: {  	s23 =	simm.s32 $0x1B8B  }
0xa4: {  	_ =	swait.ge [sflag:s23], $0x1  }
0xa5: {  	[sflag:s23] =	ssyncset.done $0x0  }
0xa6: {  	s25 =	simm.s32 $0x1B8E;
	s24 =	sld [smem:$0x3FFE];
	[sflag:s23] =	ssyncadd.s32 $0xFFFFFFFF  }
0xa7: {  	s26 =	simm.s32 $execute0_lowered;
	[smem:$0x3FD2] =	sst s25  }
0xa8: {  	s7 =	sshll.u32 s26, $0x1;
	_ =	strace $0x80000046;
	[dreg:$0x1] =	wrdreg $0xFFFFFFFF  }
0xa9: {  	s28 =	simm.s32 $_size_execute0_lowered;
	s5 =	sadd.s32 s5, s7;
	[dreg:$0x0] =	wrdreg $0x0  }
0xaa: {  	s7 =	sshll.u32 s28, $0x1;
	[dreg:$0x2] =	wrdreg s5  }
0xab: {  	[dreg:$0x3] =	wrdreg s7  }
0xac: {  	[dreg:$0x4] =	wrdreg $0xC0  }
0xad: {  	_ =	task [dreg:s9], $0x5FFFF  }
0xae: {  	[dreg:$0x1] =	wrdreg $0xFFFFFFFF  }
0xaf: {  	[dreg:$0x0] =	wrdreg $0x60  }
0xb0: {  	[dreg:$0x2] =	wrdreg s24  }
0xb1: {  	[dreg:$0x3] =	wrdreg s2  }
0xb2: {  	[dreg:$0x4] =	wrdreg s18  }
0xb3: {  	[dreg:$0x5] =	wrdreg s4  }
0xb4: {  	[dreg:$0x6] =	wrdreg $0x9  }
0xb5: {  	_ =	task.clear_ibuf [dreg:s9], $0x7FFFF;
	_ =	strace $0x90000046  }
0xb6: {  	s29 =	simm.s32 $0x9;
	_ =	strace $0x80000048  }
0xb7: {  	_ =	swait.ge [sflag:s29], $0x1  }
0xb8: {  	[sflag:s29] =	ssyncadd.s32 $0xFFFFFFFF  }
0xb9: {  	_ =	strace $0x90000048  }
0xba: {  	_ =	sfence  }
0xbb: {  	s30 =	sld [smem:$0x0];
	_ =	sdelay $0x2  }
0xbc: {  	s31 =	sshll.u32 s1, $0xD;
	s1 =	sshrl.u32 s1, $0x2  }
0xbd: {  	s3 =	sand.u32 $0x4000, s31;
	s1 =	sadd.s32 s1, s30  }
0xbe: {  	s0 =	sor.u32 s3, s0;
	s1 =	sshll.u32 s1, $0x11  }
0xbf: {  	s0 =	sor.u32 s1, s0  }
0xc0: {  	s0 =	sadd.s32 $0x8F2B, s0  }
0xc1: {  	[sflag:s0] =	ssyncadd.remote.s32 $0x1  }
0xc2: {  	_ =	sfence.sel $0xFFFF  }
0xc3: {  	[dreg:$0x0] =	wrdreg $0xFFFFFFFF;
	(pc) =	sbr.abs _section_cstart, $3  }
0xc4: {  	[dreg:$0x1] =	wrdreg $0xFFFFFFFF  }
0xc5: {  	_ =	task.clear_ibuf [dreg:s9], $0x2FFFF;
	_ =	strace $0x9FFFFFFF  }
0xc6: {  	(tm) =	ssettm $0x7FFFFFFF  }
0xc7: {  	_ =	shalt  }
tec
execute0_lowered:
.L_overlay_start_1:
0x0: {  	(tag) =	ssettag $0x1  }
0x1: {  	s0 =	rddreg [dreg:$0x0]  }
0x2: {  	s1 =	rddreg [dreg:$0x1]  }
0x3: {  	s2 =	srdreg.scid;
	s4 =	stileid.u32  }
0x4: {  	s3 =	rddreg [dreg:$0x3];
	s29 =	simm.s32 $0x9;
	s17 =	simm.s32 $0x3100  }
0x5: {  	s19 =	simm.s32 $0x9100;
	s12 =	simm.s32 $0xF100;
	s30 =	simm.s32 $0xF900  }
0x6: {  	s15 =	simm.s32 $0x10900;
	s20 =	simm.s32 $0x13900;
	s11 =	simm.s32 $0x14900  }
0x7: {  	s28 =	simm.s32 $0x0;
	s14 =	simm.s32 $0x15900;
	s18 =	simm.s32 $0x19100  }
0x8: {  	s31 =	simm.s32 $0x2;
	s16 =	simm.s32 $0x5;
	s2 =	sand.u32 $0x1, s2  }
0x9: {  	s5 =	sshll.u32 s4, $0x9;
	s4 =	simm.s32 $0x0;
	s6 =	sshll.u32 s2, $0x8  }
0xa: {  	[smem:$0x7FF] =	sst s4;
	s2 =	ssub.s32 $0x2, s2;
	s5 =	sor.u32 s6, s5  }
0xb: {  	_ =	strace $0x80000047;
	s7 =	sshrl.u32 s2, $0x1;
	s6 =	sshrl.u32 s5, $0x3  }
0xc: {  	s2 =	ssub.s32 s2, s7;
	s7 =	sadd.s32 $0x200, s1;
	s21 =	sand.u32 $0x700, s5  }
0xd: {  	s8 =	smul.u32 $0x300, s6;
	s0 =	sadd.s32 s6, s0;
	s2 =	smax.u32 s2, $0x1  }
0xe: {  	s9 =	smul.u32 $0x1800, s6;
	s0 =	sadd.s32 $0x400, s0;
	[dreg:$0xe] =	wrdreg s2  }
0xf: {  	s6 =	sadd.s32 $0x100, s1;
	[dreg:$0x6] =	wrdreg s0;
	s8 =	sadd.s32 s3, s8  }
0x10: {  	s22 =	sshrl.u32 s9, $0x3;
	s23 =	sadd.s32 $0xC00, s8;
	[dreg:$0x5] =	wrdreg s8  }
0x11: {  	s8 =	sadd.s32 $0x1800, s8;
	s3 =	sadd.s32 s3, s22;
	[dreg:$0x7] =	wrdreg s23  }
0x12: {  	p0 =	sne.s32 s21, $0x0;
	[dreg:$0x8] =	wrdreg s8;
	s5 =	sadd.s32 $0x2400, s3  }
0x13: {  	s21 =	simm.s32 $0x12900;
	s24 =	sadd.s32 $0x3000, s3;
	[dreg:$0x9] =	wrdreg s5  }
.Ltmp0:
0x14: {  	s25 =	sadd.s32 $0x3C00, s3;
	[dreg:$0xa] =	wrdreg s24;
	(pc) =	sbr.rel .LBB2_1-.Ltmp0, $4  }
0x15: {  	s2 =	simm.s32 $0x1;
	s26 =	sadd.s32 $0x4800, s3;
	[dreg:$0xb] =	wrdreg s25  }
0x16: {  	v2 =	vlaneseq.u32;
	s22 =	simm.s32 $0x11900;
	s3 =	sadd.s32 $0x5400, s3;
	[dreg:$0xc] =	wrdreg s26  }
0x17: {  	vm0 =	vmmov $0xffff;
	v1 =	vshrl.u32 v2, $0x3;
	s8 =	simm.s32 $0x17100;
	s23 =	simm.s32 $0x3;
	[dreg:$0xd] =	wrdreg s3  }
0x18: {  	v0 =	vand.u32 $0x7, v2;
	v2 =	vor.u32 $0x8, v2;
	v1 =	vmul.u32 $0x8, v1;
	s24 =	simm.s32 $0x6;
	s25 =	simm.s32 $0x4;
	s26 =	simm.s32 $0x7  }
.LBB2_5:
0x19: {  	s0 =	rddreg [dreg:$0x5]  }
0x1a: {  	[hbm4b:s0+s4] =	stream.linear.scatter [tilespmem:s17], [sflag:$0x5], $0x6000, $0x38;
	[tilespmem:$0x1B100] =	vst v63  }
0x1b: {  	v3 =	vld [tilespmem:$0x60];
	_ =	sdelay $0x4  }
0x1c: {  	v4 =	vshrl.u32 v3, $0x3  }
0x1d: {  	v4 =	vmul.u32 $0x30, v4  }
0x1e: {  	v3 =	vand.u32 $0x7, v3  }
0x1f: {  	v3 =	vor.u32 v3, v4  }
0x20: {  	v4 =	vperm.xlane v3, v0;
	_ =	sdelay $0x1  }
0x21: {  	v4 =	vadd.s32 v1, v4;
	_ =	sdelay $0x3  }
0x22: {  	s10 =	simm.s32 $0x15100;
	v3 =	vperm.xlane v3, v2  }
0x23: {  	[tilespmem:s10], [sflag:$0x4] =	stream.indirect_vreg.gather [hbm4b:s1+s4], $0x80, v4, vm0, $0xb8;
	[tilespmem:$0x1B100] =	vst v63  }
0x24: {  	v3 =	vadd.s32 v1, v3  }
0x25: {  	[tilespmem:s14], [sflag:$0x4] =	stream.indirect_vreg.gather [hbm4b:s6+s4], $0x80, v4, vm0, $0xb8;
	[tilespmem:$0x1B100] =	vst v63  }
0x26: {  	s9 =	simm.s32 $0x16100  }
0x27: {  	[tilespmem:s9], [sflag:$0x4] =	stream.indirect_vreg.gather [hbm4b:s7+s4], $0x80, v4, vm0, $0xb8;
	[tilespmem:$0x1B100] =	vst v63  }
0x28: {  	s5 =	simm.s32 $0x16900  }
0x29: {  	[tilespmem:s5], [sflag:$0x4] =	stream.indirect_vreg.gather [hbm4b:s1+s4], $0x80, v3, vm0, $0xb8;
	[tilespmem:$0x1B100] =	vst v63  }
0x2a: {  	_ = 	snop  }
0x2b: {  	[tilespmem:s8], [sflag:$0x4] =	stream.indirect_vreg.gather [hbm4b:s6+s4], $0x80, v3, vm0, $0xb8;
	[tilespmem:$0x1B100] =	vst v63  }
0x2c: {  	s2 =	simm.s32 $0x17900  }
0x2d: {  	[tilespmem:s2], [sflag:$0x4] =	stream.indirect_vreg.gather [hbm4b:s7+s4], $0x80, v3, vm0, $0xb8;
	[tilespmem:$0x1B100] =	vst v63  }
0x2e: {  	v3 =	vld [tilespmem:$0x70];
	_ =	sdelay $0x4  }
0x2f: {  	v55 =	vshrl.u32 v3, $0x3  }
0x30: {  	v4 =	vmul.u32 $0x30, v55  }
0x31: {  	v3 =	vand.u32 $0x7, v3  }
0x32: {  	v3 =	vor.u32 v3, v4  }
0x33: {  	v4 =	vperm.xlane v3, v0;
	_ =	sdelay $0x1  }
0x34: {  	v4 =	vadd.s32 v1, v4;
	_ =	sdelay $0x3  }
0x35: {  	s3 =	simm.s32 $0x18100;
	v3 =	vperm.xlane v3, v2  }
0x36: {  	[tilespmem:s3], [sflag:$0x4] =	stream.indirect_vreg.gather [hbm4b:s1+s4], $0x80, v4, vm0, $0xb8;
	[tilespmem:$0x1B100] =	vst v63  }
0x37: {  	s0 =	simm.s32 $0x18900;
	v3 =	vadd.s32 v1, v3  }
0x38: {  	[tilespmem:s0], [sflag:$0x4] =	stream.indirect_vreg.gather [hbm4b:s6+s4], $0x80, v4, vm0, $0xb8;
	[tilespmem:$0x1B100] =	vst v63  }
0x39: {  	_ = 	snop  }
0x3a: {  	[tilespmem:s18], [sflag:$0x4] =	stream.indirect_vreg.gather [hbm4b:s7+s4], $0x80, v4, vm0, $0xb8;
	[tilespmem:$0x1B100] =	vst v63  }
0x3b: {  	s11 =	simm.s32 $0x19900  }
0x3c: {  	[tilespmem:s11], [sflag:$0x4] =	stream.indirect_vreg.gather [hbm4b:s1+s4], $0x80, v3, vm0, $0xb8;
	[tilespmem:$0x1B100] =	vst v63  }
0x3d: {  	s21 =	simm.s32 $0x1A100  }
0x3e: {  	[tilespmem:s21], [sflag:$0x4] =	stream.indirect_vreg.gather [hbm4b:s6+s4], $0x80, v3, vm0, $0xb8;
	[tilespmem:$0x1B100] =	vst v63  }
0x3f: {  	s22 =	simm.s32 $0x1A900  }
0x40: {  	[tilespmem:s22], [sflag:$0x4] =	stream.indirect_vreg.gather [hbm4b:s7+s4], $0x80, v3, vm0, $0xb8;
	[tilespmem:$0x1B100] =	vst v63  }
0x41: {  	_ =	swait.ge [sflag:s31], $0x6000  }
0x42: {  	[sflag:s31] =	ssyncset.done $0x0  }
0x43: {  	s30 =	rddreg [dreg:$0x7];
	[sflag:s31] =	ssyncadd.s32 $0xFFFFA000  }
0x44: {  	[hbm4b:s30+s4] =	stream.linear.scatter [tilespmem:s19], [sflag:$0x6], $0x6000, $0x38;
	[tilespmem:$0x1B100] =	vst v63  }
0x45: {  	_ =	swait.ge [sflag:s16], $0x6000  }
0x46: {  	[sflag:s16] =	ssyncset.done $0x0  }
0x47: {  	[sflag:s16] =	ssyncadd.s32 $0xFFFFA000  }
0x48: {  	v3 =	vld [tilespmem:$0x80];
	_ =	sdelay $0x4  }
0x49: {  	v56 =	vshrl.u32 v3, $0x3  }
0x4a: {  	v4 =	vmul.u32 $0x30, v56  }
0x4b: {  	v3 =	vand.u32 $0x7, v3  }
0x4c: {  	v3 =	vor.u32 v3, v4  }
0x4d: {  	v4 =	vperm.xlane v3, v0;
	_ =	sdelay $0x1  }
0x4e: {  	v4 =	vadd.s32 v1, v4;
	_ =	sdelay $0x3  }
0x4f: {  	v3 =	vperm.xlane v3, v2  }
0x50: {  	[tilespmem:s17], [sflag:$0x1] =	stream.indirect_vreg.gather [hbm4b:s1+s4], $0x80, v4, vm0, $0xb8;
	[tilespmem:$0x1B100] =	vst v63  }
0x51: {  	s30 =	simm.s32 $0x3900;
	v3 =	vadd.s32 v1, v3  }
0x52: {  	[tilespmem:s30], [sflag:$0x1] =	stream.indirect_vreg.gather [hbm4b:s6+s4], $0x80, v4, vm0, $0xb8;
	[tilespmem:$0x1B100] =	vst v63  }
0x53: {  	s30 =	simm.s32 $0x4100  }
0x54: {  	[tilespmem:s30], [sflag:$0x1] =	stream.indirect_vreg.gather [hbm4b:s7+s4], $0x80, v4, vm0, $0xb8;
	[tilespmem:$0x1B100] =	vst v63  }
0x55: {  	s30 =	simm.s32 $0x4900  }
0x56: {  	[tilespmem:s30], [sflag:$0x1] =	stream.indirect_vreg.gather [hbm4b:s1+s4], $0x80, v3, vm0, $0xb8;
	[tilespmem:$0x1B100] =	vst v63  }
0x57: {  	s30 =	simm.s32 $0x5100  }
0x58: {  	[tilespmem:s30], [sflag:$0x1] =	stream.indirect_vreg.gather [hbm4b:s6+s4], $0x80, v3, vm0, $0xb8;
	[tilespmem:$0x1B100] =	vst v63  }
0x59: {  	s30 =	simm.s32 $0x5900  }
0x5a: {  	[tilespmem:s30], [sflag:$0x1] =	stream.indirect_vreg.gather [hbm4b:s7+s4], $0x80, v3, vm0, $0xb8;
	[tilespmem:$0x1B100] =	vst v63  }
0x5b: {  	v3 =	vld [tilespmem:$0x90];
	_ =	sdelay $0x4  }
0x5c: {  	v57 =	vshrl.u32 v3, $0x3  }
0x5d: {  	v4 =	vmul.u32 $0x30, v57  }
0x5e: {  	v3 =	vand.u32 $0x7, v3  }
0x5f: {  	v3 =	vor.u32 v3, v4  }
0x60: {  	v4 =	vperm.xlane v3, v0;
	_ =	sdelay $0x1  }
0x61: {  	v4 =	vadd.s32 v1, v4;
	_ =	sdelay $0x3  }
0x62: {  	s30 =	simm.s32 $0x6100;
	v3 =	vperm.xlane v3, v2  }
0x63: {  	[tilespmem:s30], [sflag:$0x1] =	stream.indirect_vreg.gather [hbm4b:s1+s4], $0x80, v4, vm0, $0xb8;
	[tilespmem:$0x1B100] =	vst v63  }
0x64: {  	v3 =	vadd.s32 v1, v3;
	s30 =	simm.s32 $0x6900  }
0x65: {  	[tilespmem:s30], [sflag:$0x1] =	stream.indirect_vreg.gather [hbm4b:s6+s4], $0x80, v4, vm0, $0xb8;
	[tilespmem:$0x1B100] =	vst v63  }
0x66: {  	s30 =	simm.s32 $0x7100  }
0x67: {  	[tilespmem:s30], [sflag:$0x1] =	stream.indirect_vreg.gather [hbm4b:s7+s4], $0x80, v4, vm0, $0xb8;
	[tilespmem:$0x1B100] =	vst v63  }
0x68: {  	s30 =	simm.s32 $0x7900  }
0x69: {  	[tilespmem:s30], [sflag:$0x1] =	stream.indirect_vreg.gather [hbm4b:s1+s4], $0x80, v3, vm0, $0xb8;
	[tilespmem:$0x1B100] =	vst v63  }
0x6a: {  	s30 =	simm.s32 $0x8100  }
0x6b: {  	[tilespmem:s30], [sflag:$0x1] =	stream.indirect_vreg.gather [hbm4b:s6+s4], $0x80, v3, vm0, $0xb8;
	[tilespmem:$0x1B100] =	vst v63  }
0x6c: {  	s30 =	simm.s32 $0x8900  }
0x6d: {  	[tilespmem:s30], [sflag:$0x1] =	stream.indirect_vreg.gather [hbm4b:s7+s4], $0x80, v3, vm0, $0xb8;
	[tilespmem:$0x1B100] =	vst v63  }
0x6e: {  	_ =	swait.ge [sflag:s23], $0x6000  }
0x6f: {  	[sflag:s23] =	ssyncset.done $0x0  }
0x70: {  	s30 =	rddreg [dreg:$0x8];
	[sflag:s23] =	ssyncadd.s32 $0xFFFFA000  }
0x71: {  	[hbm4b:s30+s4] =	stream.linear.scatter [tilespmem:s12], [sflag:$0x7], $0x6000, $0x38;
	[tilespmem:$0x1B100] =	vst v63  }
0x72: {  	_ =	swait.ge [sflag:s24], $0x6000  }
0x73: {  	[sflag:s24] =	ssyncset.done $0x0  }
0x74: {  	[sflag:s24] =	ssyncadd.s32 $0xFFFFA000  }
0x75: {  	v3 =	vld [tilespmem:$0xA0];
	_ =	sdelay $0x4  }
0x76: {  	v58 =	vshrl.u32 v3, $0x3  }
0x77: {  	v4 =	vmul.u32 $0x30, v58  }
0x78: {  	v3 =	vand.u32 $0x7, v3  }
0x79: {  	v3 =	vor.u32 v3, v4  }
0x7a: {  	v4 =	vperm.xlane v3, v0;
	_ =	sdelay $0x1  }
0x7b: {  	v4 =	vadd.s32 v1, v4;
	_ =	sdelay $0x3  }
0x7c: {  	v3 =	vperm.xlane v3, v2  }
0x7d: {  	[tilespmem:s19], [sflag:$0x2] =	stream.indirect_vreg.gather [hbm4b:s1+s4], $0x80, v4, vm0, $0xb8;
	[tilespmem:$0x1B100] =	vst v63  }
0x7e: {  	s30 =	simm.s32 $0x9900;
	v3 =	vadd.s32 v1, v3  }
0x7f: {  	[tilespmem:s30], [sflag:$0x2] =	stream.indirect_vreg.gather [hbm4b:s6+s4], $0x80, v4, vm0, $0xb8;
	[tilespmem:$0x1B100] =	vst v63  }
0x80: {  	s30 =	simm.s32 $0xA100  }
0x81: {  	[tilespmem:s30], [sflag:$0x2] =	stream.indirect_vreg.gather [hbm4b:s7+s4], $0x80, v4, vm0, $0xb8;
	[tilespmem:$0x1B100] =	vst v63  }
0x82: {  	s30 =	simm.s32 $0xA900  }
0x83: {  	[tilespmem:s30], [sflag:$0x2] =	stream.indirect_vreg.gather [hbm4b:s1+s4], $0x80, v3, vm0, $0xb8;
	[tilespmem:$0x1B100] =	vst v63  }
0x84: {  	s30 =	simm.s32 $0xB100  }
0x85: {  	[tilespmem:s30], [sflag:$0x2] =	stream.indirect_vreg.gather [hbm4b:s6+s4], $0x80, v3, vm0, $0xb8;
	[tilespmem:$0x1B100] =	vst v63  }
0x86: {  	s30 =	simm.s32 $0xB900  }
0x87: {  	[tilespmem:s30], [sflag:$0x2] =	stream.indirect_vreg.gather [hbm4b:s7+s4], $0x80, v3, vm0, $0xb8;
	[tilespmem:$0x1B100] =	vst v63  }
0x88: {  	v3 =	vld [tilespmem:$0xB0];
	_ =	sdelay $0x4  }
0x89: {  	v59 =	vshrl.u32 v3, $0x3  }
0x8a: {  	v4 =	vmul.u32 $0x30, v59  }
0x8b: {  	v3 =	vand.u32 $0x7, v3  }
0x8c: {  	v3 =	vor.u32 v3, v4  }
0x8d: {  	v4 =	vperm.xlane v3, v0;
	_ =	sdelay $0x1  }
0x8e: {  	v4 =	vadd.s32 v1, v4;
	_ =	sdelay $0x3  }
0x8f: {  	s30 =	simm.s32 $0xC100;
	v3 =	vperm.xlane v3, v2  }
0x90: {  	[tilespmem:s30], [sflag:$0x2] =	stream.indirect_vreg.gather [hbm4b:s1+s4], $0x80, v4, vm0, $0xb8;
	[tilespmem:$0x1B100] =	vst v63  }
0x91: {  	v3 =	vadd.s32 v1, v3;
	s30 =	simm.s32 $0xC900  }
0x92: {  	[tilespmem:s30], [sflag:$0x2] =	stream.indirect_vreg.gather [hbm4b:s6+s4], $0x80, v4, vm0, $0xb8;
	[tilespmem:$0x1B100] =	vst v63  }
0x93: {  	s30 =	simm.s32 $0xD100  }
0x94: {  	[tilespmem:s30], [sflag:$0x2] =	stream.indirect_vreg.gather [hbm4b:s7+s4], $0x80, v4, vm0, $0xb8;
	[tilespmem:$0x1B100] =	vst v63  }
0x95: {  	s30 =	simm.s32 $0xD900  }
0x96: {  	[tilespmem:s30], [sflag:$0x2] =	stream.indirect_vreg.gather [hbm4b:s1+s4], $0x80, v3, vm0, $0xb8;
	[tilespmem:$0x1B100] =	vst v63  }
0x97: {  	s30 =	simm.s32 $0xE100  }
0x98: {  	[tilespmem:s30], [sflag:$0x2] =	stream.indirect_vreg.gather [hbm4b:s6+s4], $0x80, v3, vm0, $0xb8;
	[tilespmem:$0x1B100] =	vst v63  }
0x99: {  	s30 =	simm.s32 $0xE900  }
0x9a: {  	[tilespmem:s30], [sflag:$0x2] =	stream.indirect_vreg.gather [hbm4b:s7+s4], $0x80, v3, vm0, $0xb8;
	[tilespmem:$0x1B100] =	vst v63  }
0x9b: {  	_ =	swait.ge [sflag:s25], $0x6000  }
0x9c: {  	[sflag:s25] =	ssyncset.done $0x0  }
0x9d: {  	s30 =	rddreg [dreg:$0x9];
	[sflag:s25] =	ssyncadd.s32 $0xFFFFA000  }
0x9e: {  	[hbm4b:s30+s4] =	stream.linear.scatter [tilespmem:s10], [sflag:$0x8], $0x6000, $0x38;
	[tilespmem:$0x1B100] =	vst v63  }
0x9f: {  	_ =	swait.ge [sflag:s26], $0x6000  }
0xa0: {  	[sflag:s26] =	ssyncset.done $0x0  }
0xa1: {  	[sflag:s26] =	ssyncadd.s32 $0xFFFFA000  }
0xa2: {  	v3 =	vld [tilespmem:$0xC0];
	_ =	sdelay $0x4  }
0xa3: {  	v60 =	vshrl.u32 v3, $0x3  }
0xa4: {  	v4 =	vmul.u32 $0x30, v60  }
0xa5: {  	v3 =	vand.u32 $0x7, v3  }
0xa6: {  	v3 =	vor.u32 v3, v4  }
0xa7: {  	v4 =	vperm.xlane v3, v0;
	_ =	sdelay $0x1  }
0xa8: {  	v4 =	vadd.s32 v1, v4;
	_ =	sdelay $0x3  }
0xa9: {  	v3 =	vperm.xlane v3, v2  }
0xaa: {  	[tilespmem:s12], [sflag:$0x3] =	stream.indirect_vreg.gather [hbm4b:s1+s4], $0x80, v4, vm0, $0xb8;
	[tilespmem:$0x1B100] =	vst v63  }
0xab: {  	s30 =	simm.s32 $0xF900;
	v3 =	vadd.s32 v1, v3  }
0xac: {  	[tilespmem:s30], [sflag:$0x3] =	stream.indirect_vreg.gather [hbm4b:s6+s4], $0x80, v4, vm0, $0xb8;
	[tilespmem:$0x1B100] =	vst v63  }
0xad: {  	s15 =	simm.s32 $0x10100  }
0xae: {  	[tilespmem:s15], [sflag:$0x3] =	stream.indirect_vreg.gather [hbm4b:s7+s4], $0x80, v4, vm0, $0xb8;
	[tilespmem:$0x1B100] =	vst v63  }
0xaf: {  	s15 =	simm.s32 $0x10900  }
0xb0: {  	[tilespmem:s15], [sflag:$0x3] =	stream.indirect_vreg.gather [hbm4b:s1+s4], $0x80, v3, vm0, $0xb8;
	[tilespmem:$0x1B100] =	vst v63  }
0xb1: {  	s22 =	simm.s32 $0x11100  }
0xb2: {  	[tilespmem:s22], [sflag:$0x3] =	stream.indirect_vreg.gather [hbm4b:s6+s4], $0x80, v3, vm0, $0xb8;
	[tilespmem:$0x1B100] =	vst v63  }
0xb3: {  	s22 =	simm.s32 $0x11900  }
0xb4: {  	[tilespmem:s22], [sflag:$0x3] =	stream.indirect_vreg.gather [hbm4b:s7+s4], $0x80, v3, vm0, $0xb8;
	[tilespmem:$0x1B100] =	vst v63  }
0xb5: {  	v3 =	vld [tilespmem:$0xD0];
	_ =	sdelay $0x4  }
0xb6: {  	v61 =	vshrl.u32 v3, $0x3  }
0xb7: {  	v4 =	vmul.u32 $0x30, v61  }
0xb8: {  	v3 =	vand.u32 $0x7, v3  }
0xb9: {  	v3 =	vor.u32 v3, v4  }
0xba: {  	v4 =	vperm.xlane v3, v0;
	_ =	sdelay $0x1  }
0xbb: {  	v4 =	vadd.s32 v1, v4;
	_ =	sdelay $0x3  }
0xbc: {  	s21 =	simm.s32 $0x12100;
	v3 =	vperm.xlane v3, v2  }
0xbd: {  	[tilespmem:s21], [sflag:$0x3] =	stream.indirect_vreg.gather [hbm4b:s1+s4], $0x80, v4, vm0, $0xb8;
	[tilespmem:$0x1B100] =	vst v63  }
0xbe: {  	v3 =	vadd.s32 v1, v3;
	s21 =	simm.s32 $0x12900  }
0xbf: {  	[tilespmem:s21], [sflag:$0x3] =	stream.indirect_vreg.gather [hbm4b:s6+s4], $0x80, v4, vm0, $0xb8;
	[tilespmem:$0x1B100] =	vst v63  }
0xc0: {  	s20 =	simm.s32 $0x13100  }
0xc1: {  	[tilespmem:s20], [sflag:$0x3] =	stream.indirect_vreg.gather [hbm4b:s7+s4], $0x80, v4, vm0, $0xb8;
	[tilespmem:$0x1B100] =	vst v63  }
0xc2: {  	s20 =	simm.s32 $0x13900  }
0xc3: {  	[tilespmem:s20], [sflag:$0x3] =	stream.indirect_vreg.gather [hbm4b:s1+s4], $0x80, v3, vm0, $0xb8;
	[tilespmem:$0x1B100] =	vst v63  }
0xc4: {  	s11 =	simm.s32 $0x14100  }
0xc5: {  	[tilespmem:s11], [sflag:$0x3] =	stream.indirect_vreg.gather [hbm4b:s6+s4], $0x80, v3, vm0, $0xb8;
	[tilespmem:$0x1B100] =	vst v63  }
0xc6: {  	s11 =	simm.s32 $0x14900  }
0xc7: {  	[tilespmem:s11], [sflag:$0x3] =	stream.indirect_vreg.gather [hbm4b:s7+s4], $0x80, v3, vm0, $0xb8;
	[tilespmem:$0x1B100] =	vst v63  }
0xc8: {  	_ =	swait.ge [sflag:s13], $0x6000  }
0xc9: {  	[sflag:s13] =	ssyncset.done $0x0  }
0xca: {  	[sflag:s13] =	ssyncadd.s32 $0xFFFFA000;
	s13 =	rddreg [dreg:$0xa]  }
0xcb: {  	[hbm4b:s13+s4] =	stream.linear.scatter [tilespmem:s17], [sflag:$0x5], $0x6000, $0x38;
	[tilespmem:$0x1B100] =	vst v63  }
0xcc: {  	s13 =	simm.s32 $0x8  }
0xcd: {  	_ =	swait.ge [sflag:s13], $0x6000  }
0xce: {  	[sflag:s13] =	ssyncset.done $0x0  }
0xcf: {  	[sflag:s13] =	ssyncadd.s32 $0xFFFFA000  }
0xd0: {  	v3 =	vld [tilespmem:$0xE0];
	_ =	sdelay $0x4  }
0xd1: {  	v62 =	vshrl.u32 v3, $0x3  }
0xd2: {  	v4 =	vmul.u32 $0x30, v62  }
0xd3: {  	v3 =	vand.u32 $0x7, v3  }
0xd4: {  	v3 =	vor.u32 v3, v4  }
0xd5: {  	v4 =	vperm.xlane v3, v0;
	_ =	sdelay $0x1  }
0xd6: {  	v4 =	vadd.s32 v1, v4;
	_ =	sdelay $0x3  }
0xd7: {  	v3 =	vperm.xlane v3, v2  }
0xd8: {  	[tilespmem:s10], [sflag:$0x4] =	stream.indirect_vreg.gather [hbm4b:s1+s4], $0x80, v4, vm0, $0xb8;
	[tilespmem:$0x1B100] =	vst v63  }
0xd9: {  	v3 =	vadd.s32 v1, v3  }
0xda: {  	[tilespmem:s14], [sflag:$0x4] =	stream.indirect_vreg.gather [hbm4b:s6+s4], $0x80, v4, vm0, $0xb8;
	[tilespmem:$0x1B100] =	vst v63  }
0xdb: {  	_ = 	snop  }
0xdc: {  	[tilespmem:s9], [sflag:$0x4] =	stream.indirect_vreg.gather [hbm4b:s7+s4], $0x80, v4, vm0, $0xb8;
	[tilespmem:$0x1B100] =	vst v63  }
0xdd: {  	_ = 	snop  }
0xde: {  	[tilespmem:s5], [sflag:$0x4] =	stream.indirect_vreg.gather [hbm4b:s1+s4], $0x80, v3, vm0, $0xb8;
	[tilespmem:$0x1B100] =	vst v63  }
0xdf: {  	_ = 	snop  }
0xe0: {  	[tilespmem:s8], [sflag:$0x4] =	stream.indirect_vreg.gather [hbm4b:s6+s4], $0x80, v3, vm0, $0xb8;
	[tilespmem:$0x1B100] =	vst v63  }
0xe1: {  	_ = 	snop  }
0xe2: {  	[tilespmem:s2], [sflag:$0x4] =	stream.indirect_vreg.gather [hbm4b:s7+s4], $0x80, v3, vm0, $0xb8;
	[tilespmem:$0x1B100] =	vst v63  }
0xe3: {  	v3 =	vld [tilespmem:$0xF0];
	_ =	sdelay $0x4  }
0xe4: {  	v63 =	vshrl.u32 v3, $0x3  }
0xe5: {  	v4 =	vmul.u32 $0x30, v63  }
0xe6: {  	v3 =	vand.u32 $0x7, v3  }
0xe7: {  	v3 =	vor.u32 v3, v4  }
0xe8: {  	v4 =	vperm.xlane v3, v0;
	_ =	sdelay $0x1  }
0xe9: {  	v4 =	vadd.s32 v1, v4;
	_ =	sdelay $0x3  }
0xea: {  	v3 =	vperm.xlane v3, v2  }
0xeb: {  	[tilespmem:s3], [sflag:$0x4] =	stream.indirect_vreg.gather [hbm4b:s1+s4], $0x80, v4, vm0, $0xb8;
	[tilespmem:$0x1B100] =	vst v63  }
0xec: {  	v3 =	vadd.s32 v1, v3  }
0xed: {  	[tilespmem:s0], [sflag:$0x4] =	stream.indirect_vreg.gather [hbm4b:s6+s4], $0x80, v4, vm0, $0xb8;
	[tilespmem:$0x1B100] =	vst v63  }
0xee: {  	_ = 	snop  }
0xef: {  	[tilespmem:s18], [sflag:$0x4] =	stream.indirect_vreg.gather [hbm4b:s7+s4], $0x80, v4, vm0, $0xb8;
	[tilespmem:$0x1B100] =	vst v63  }
0xf0: {  	s5 =	simm.s32 $0x19900  }
0xf1: {  	[tilespmem:s5], [sflag:$0x4] =	stream.indirect_vreg.gather [hbm4b:s1+s4], $0x80, v3, vm0, $0xb8;
	[tilespmem:$0x1B100] =	vst v63  }
0xf2: {  	s9 =	simm.s32 $0x1A100  }
0xf3: {  	[tilespmem:s9], [sflag:$0x4] =	stream.indirect_vreg.gather [hbm4b:s6+s4], $0x80, v3, vm0, $0xb8;
	[tilespmem:$0x1B100] =	vst v63  }
0xf4: {  	s2 =	simm.s32 $0x1A900  }
0xf5: {  	[tilespmem:s2], [sflag:$0x4] =	stream.indirect_vreg.gather [hbm4b:s7+s4], $0x80, v3, vm0, $0xb8;
	[tilespmem:$0x1B100] =	vst v63  }
0xf6: {  	_ =	swait.ge [sflag:s31], $0x6000  }
0xf7: {  	[sflag:s31] =	ssyncset.done $0x0  }
0xf8: {  	s3 =	rddreg [dreg:$0xb];
	[sflag:s31] =	ssyncadd.s32 $0xFFFFA000  }
0xf9: {  	[hbm4b:s3+s4] =	stream.linear.scatter [tilespmem:s19], [sflag:$0x6], $0x6000, $0x38;
	[tilespmem:$0x1B100] =	vst v63  }
0xfa: {  	_ =	swait.ge [sflag:s23], $0x6000  }
0xfb: {  	[sflag:s23] =	ssyncset.done $0x0  }
0xfc: {  	s5 =	rddreg [dreg:$0xc];
	[sflag:s23] =	ssyncadd.s32 $0xFFFFA000  }
0xfd: {  	[hbm4b:s5+s4] =	stream.linear.scatter [tilespmem:s12], [sflag:$0x7], $0x6000, $0x38;
	[tilespmem:$0x1B100] =	vst v63  }
0xfe: {  	_ =	swait.ge [sflag:s25], $0x6000  }
0xff: {  	[sflag:s25] =	ssyncset.done $0x0  }
0x100: {  	s9 =	rddreg [dreg:$0xd];
	[sflag:s25] =	ssyncadd.s32 $0xFFFFA000  }
0x101: {  	[hbm4b:s9+s4] =	stream.linear.scatter [tilespmem:s10], [sflag:$0x8], $0x6000, $0x38;
	[tilespmem:$0x1B100] =	vst v63  }
0x102: {  	_ =	swait.ge [sflag:s16], $0x6000  }
0x103: {  	[sflag:s16] =	ssyncset.done $0x0  }
0x104: {  	[sflag:s16] =	ssyncadd.s32 $0xFFFFA000  }
0x105: {  	_ =	swait.ge [sflag:s24], $0x6000  }
0x106: {  	[sflag:s24] =	ssyncset.done $0x0  }
0x107: {  	[sflag:s24] =	ssyncadd.s32 $0xFFFFA000  }
0x108: {  	_ =	swait.ge [sflag:s26], $0x6000  }
0x109: {  	[sflag:s26] =	ssyncset.done $0x0  }
0x10a: {  	[sflag:s26] =	ssyncadd.s32 $0xFFFFA000  }
0x10b: {  	_ =	swait.ge [sflag:s13], $0x6000  }
0x10c: {  	s28 =	sadd.s32 $0x1, s28;
	s10 =	rddreg [dreg:$0xe]  }
0x10d: {  	p1 =	sne.s32 s28, s10  }
.Ltmp1:
0x10e: {  	_ = 	snop;
	(pc) =	sbr.rel @!p1 .LBB2_6-.Ltmp1, $3  }
0x10f: {  	_ =	sdelay $0x1  }
0x110: {  	[sflag:s13] =	ssyncset.done $0x0  }
0x111: {  	s2 =	simm.s32 $0x1;
	[sflag:s13] =	ssyncadd.s32 $0xFFFFA000  }
.LBB2_1:
0x112: {  	s0 =	rddreg [dreg:$0x6]  }
0x113: {  	[tilespmem:s4], [sflag:$0x9] =	stream.linear.gather [hbm4b:s0+s4], $0x100, $0x38;
	[tilespmem:$0x1B100] =	vst v63  }
0x114: {  	_ =	swait.ge [sflag:s29], $0x100  }
0x115: {  	[sflag:s29] =	ssyncset.done $0x0  }
0x116: {  	[sflag:s29] =	ssyncadd.s32 $0xFFFFFF00  }
0x117: {  	v3 =	vld [tilespmem:$0x0];
	_ =	sdelay $0x4  }
0x118: {  	v4 =	vshrl.u32 v3, $0x3  }
0x119: {  	v4 =	vmul.u32 $0x30, v4  }
0x11a: {  	v3 =	vand.u32 $0x7, v3  }
0x11b: {  	v3 =	vor.u32 v3, v4  }
0x11c: {  	v4 =	vperm.xlane v3, v0;
	_ =	sdelay $0x1  }
0x11d: {  	v4 =	vadd.s32 v1, v4;
	_ =	sdelay $0x3  }
0x11e: {  	v3 =	vperm.xlane v3, v2  }
0x11f: {  	[tilespmem:s17], [sflag:$0x1] =	stream.indirect_vreg.gather [hbm4b:s1+s4], $0x80, v4, vm0, $0xb8;
	[tilespmem:$0x1B100] =	vst v63  }
0x120: {  	s5 =	simm.s32 $0x3900;
	v3 =	vadd.s32 v1, v3  }
0x121: {  	[tilespmem:s5], [sflag:$0x1] =	stream.indirect_vreg.gather [hbm4b:s6+s4], $0x80, v4, vm0, $0xb8;
	[tilespmem:$0x1B100] =	vst v63  }
0x122: {  	s9 =	simm.s32 $0x4100  }
0x123: {  	[tilespmem:s9], [sflag:$0x1] =	stream.indirect_vreg.gather [hbm4b:s7+s4], $0x80, v4, vm0, $0xb8;
	[tilespmem:$0x1B100] =	vst v63  }
0x124: {  	s10 =	simm.s32 $0x4900  }
0x125: {  	[tilespmem:s10], [sflag:$0x1] =	stream.indirect_vreg.gather [hbm4b:s1+s4], $0x80, v3, vm0, $0xb8;
	[tilespmem:$0x1B100] =	vst v63  }
0x126: {  	s13 =	simm.s32 $0x5100  }
0x127: {  	[tilespmem:s13], [sflag:$0x1] =	stream.indirect_vreg.gather [hbm4b:s6+s4], $0x80, v3, vm0, $0xb8;
	[tilespmem:$0x1B100] =	vst v63  }
0x128: {  	s3 =	simm.s32 $0x5900  }
0x129: {  	[tilespmem:s3], [sflag:$0x1] =	stream.indirect_vreg.gather [hbm4b:s7+s4], $0x80, v3, vm0, $0xb8;
	[tilespmem:$0x1B100] =	vst v63  }
0x12a: {  	v3 =	vld [tilespmem:$0x10];
	_ =	sdelay $0x4  }
0x12b: {  	v59 =	vshrl.u32 v3, $0x3  }
0x12c: {  	v4 =	vmul.u32 $0x30, v59  }
0x12d: {  	v3 =	vand.u32 $0x7, v3  }
0x12e: {  	v3 =	vor.u32 v3, v4  }
0x12f: {  	v4 =	vperm.xlane v3, v0;
	_ =	sdelay $0x1  }
0x130: {  	v4 =	vadd.s32 v1, v4;
	_ =	sdelay $0x3  }
0x131: {  	s5 =	simm.s32 $0x6100;
	v3 =	vperm.xlane v3, v2  }
0x132: {  	[tilespmem:s5], [sflag:$0x1] =	stream.indirect_vreg.gather [hbm4b:s1+s4], $0x80, v4, vm0, $0xb8;
	[tilespmem:$0x1B100] =	vst v63  }
0x133: {  	s9 =	simm.s32 $0x6900;
	v3 =	vadd.s32 v1, v3  }
0x134: {  	[tilespmem:s9], [sflag:$0x1] =	stream.indirect_vreg.gather [hbm4b:s6+s4], $0x80, v4, vm0, $0xb8;
	[tilespmem:$0x1B100] =	vst v63  }
0x135: {  	s10 =	simm.s32 $0x7100  }
0x136: {  	[tilespmem:s10], [sflag:$0x1] =	stream.indirect_vreg.gather [hbm4b:s7+s4], $0x80, v4, vm0, $0xb8;
	[tilespmem:$0x1B100] =	vst v63  }
0x137: {  	s13 =	simm.s32 $0x7900  }
0x138: {  	[tilespmem:s13], [sflag:$0x1] =	stream.indirect_vreg.gather [hbm4b:s1+s4], $0x80, v3, vm0, $0xb8;
	[tilespmem:$0x1B100] =	vst v63  }
0x139: {  	s3 =	simm.s32 $0x8100  }
0x13a: {  	[tilespmem:s3], [sflag:$0x1] =	stream.indirect_vreg.gather [hbm4b:s6+s4], $0x80, v3, vm0, $0xb8;
	[tilespmem:$0x1B100] =	vst v63  }
0x13b: {  	s5 =	simm.s32 $0x8900  }
0x13c: {  	[tilespmem:s5], [sflag:$0x1] =	stream.indirect_vreg.gather [hbm4b:s7+s4], $0x80, v3, vm0, $0xb8;
	[tilespmem:$0x1B100] =	vst v63  }
0x13d: {  	v3 =	vld [tilespmem:$0x20];
	_ =	sdelay $0x4  }
0x13e: {  	v60 =	vshrl.u32 v3, $0x3  }
0x13f: {  	v4 =	vmul.u32 $0x30, v60  }
0x140: {  	v3 =	vand.u32 $0x7, v3  }
0x141: {  	v3 =	vor.u32 v3, v4  }
0x142: {  	v4 =	vperm.xlane v3, v0;
	_ =	sdelay $0x1  }
0x143: {  	v4 =	vadd.s32 v1, v4;
	_ =	sdelay $0x3  }
0x144: {  	v3 =	vperm.xlane v3, v2  }
0x145: {  	[tilespmem:s19], [sflag:$0x2] =	stream.indirect_vreg.gather [hbm4b:s1+s4], $0x80, v4, vm0, $0xb8;
	[tilespmem:$0x1B100] =	vst v63  }
0x146: {  	s9 =	simm.s32 $0x9900;
	v3 =	vadd.s32 v1, v3  }
0x147: {  	[tilespmem:s9], [sflag:$0x2] =	stream.indirect_vreg.gather [hbm4b:s6+s4], $0x80, v4, vm0, $0xb8;
	[tilespmem:$0x1B100] =	vst v63  }
0x148: {  	s10 =	simm.s32 $0xA100  }
0x149: {  	[tilespmem:s10], [sflag:$0x2] =	stream.indirect_vreg.gather [hbm4b:s7+s4], $0x80, v4, vm0, $0xb8;
	[tilespmem:$0x1B100] =	vst v63  }
0x14a: {  	s13 =	simm.s32 $0xA900  }
0x14b: {  	[tilespmem:s13], [sflag:$0x2] =	stream.indirect_vreg.gather [hbm4b:s1+s4], $0x80, v3, vm0, $0xb8;
	[tilespmem:$0x1B100] =	vst v63  }
0x14c: {  	s3 =	simm.s32 $0xB100  }
0x14d: {  	[tilespmem:s3], [sflag:$0x2] =	stream.indirect_vreg.gather [hbm4b:s6+s4], $0x80, v3, vm0, $0xb8;
	[tilespmem:$0x1B100] =	vst v63  }
0x14e: {  	s5 =	simm.s32 $0xB900  }
0x14f: {  	[tilespmem:s5], [sflag:$0x2] =	stream.indirect_vreg.gather [hbm4b:s7+s4], $0x80, v3, vm0, $0xb8;
	[tilespmem:$0x1B100] =	vst v63  }
0x150: {  	v3 =	vld [tilespmem:$0x30];
	_ =	sdelay $0x4  }
0x151: {  	v61 =	vshrl.u32 v3, $0x3  }
0x152: {  	v4 =	vmul.u32 $0x30, v61  }
0x153: {  	v3 =	vand.u32 $0x7, v3  }
0x154: {  	v3 =	vor.u32 v3, v4  }
0x155: {  	v4 =	vperm.xlane v3, v0;
	_ =	sdelay $0x1  }
0x156: {  	v4 =	vadd.s32 v1, v4;
	_ =	sdelay $0x3  }
0x157: {  	s9 =	simm.s32 $0xC100;
	v3 =	vperm.xlane v3, v2  }
0x158: {  	[tilespmem:s9], [sflag:$0x2] =	stream.indirect_vreg.gather [hbm4b:s1+s4], $0x80, v4, vm0, $0xb8;
	[tilespmem:$0x1B100] =	vst v63  }
0x159: {  	s10 =	simm.s32 $0xC900;
	v3 =	vadd.s32 v1, v3  }
0x15a: {  	[tilespmem:s10], [sflag:$0x2] =	stream.indirect_vreg.gather [hbm4b:s6+s4], $0x80, v4, vm0, $0xb8;
	[tilespmem:$0x1B100] =	vst v63  }
0x15b: {  	s13 =	simm.s32 $0xD100  }
0x15c: {  	[tilespmem:s13], [sflag:$0x2] =	stream.indirect_vreg.gather [hbm4b:s7+s4], $0x80, v4, vm0, $0xb8;
	[tilespmem:$0x1B100] =	vst v63  }
0x15d: {  	s3 =	simm.s32 $0xD900  }
0x15e: {  	[tilespmem:s3], [sflag:$0x2] =	stream.indirect_vreg.gather [hbm4b:s1+s4], $0x80, v3, vm0, $0xb8;
	[tilespmem:$0x1B100] =	vst v63  }
0x15f: {  	s5 =	simm.s32 $0xE100  }
0x160: {  	[tilespmem:s5], [sflag:$0x2] =	stream.indirect_vreg.gather [hbm4b:s6+s4], $0x80, v3, vm0, $0xb8;
	[tilespmem:$0x1B100] =	vst v63  }
0x161: {  	s9 =	simm.s32 $0xE900  }
0x162: {  	[tilespmem:s9], [sflag:$0x2] =	stream.indirect_vreg.gather [hbm4b:s7+s4], $0x80, v3, vm0, $0xb8;
	[tilespmem:$0x1B100] =	vst v63  }
0x163: {  	v3 =	vld [tilespmem:$0x40];
	_ =	sdelay $0x4  }
0x164: {  	v62 =	vshrl.u32 v3, $0x3  }
0x165: {  	v4 =	vmul.u32 $0x30, v62  }
0x166: {  	v3 =	vand.u32 $0x7, v3  }
0x167: {  	v3 =	vor.u32 v3, v4  }
0x168: {  	v4 =	vperm.xlane v3, v0;
	_ =	sdelay $0x1  }
0x169: {  	v4 =	vadd.s32 v1, v4;
	_ =	sdelay $0x3  }
0x16a: {  	v3 =	vperm.xlane v3, v2  }
0x16b: {  	[tilespmem:s12], [sflag:$0x3] =	stream.indirect_vreg.gather [hbm4b:s1+s4], $0x80, v4, vm0, $0xb8;
	[tilespmem:$0x1B100] =	vst v63  }
0x16c: {  	v3 =	vadd.s32 v1, v3  }
0x16d: {  	[tilespmem:s30], [sflag:$0x3] =	stream.indirect_vreg.gather [hbm4b:s6+s4], $0x80, v4, vm0, $0xb8;
	[tilespmem:$0x1B100] =	vst v63  }
0x16e: {  	s10 =	simm.s32 $0x10100  }
0x16f: {  	[tilespmem:s10], [sflag:$0x3] =	stream.indirect_vreg.gather [hbm4b:s7+s4], $0x80, v4, vm0, $0xb8;
	[tilespmem:$0x1B100] =	vst v63  }
0x170: {  	_ = 	snop  }
0x171: {  	[tilespmem:s15], [sflag:$0x3] =	stream.indirect_vreg.gather [hbm4b:s1+s4], $0x80, v3, vm0, $0xb8;
	[tilespmem:$0x1B100] =	vst v63  }
0x172: {  	s13 =	simm.s32 $0x11100  }
0x173: {  	[tilespmem:s13], [sflag:$0x3] =	stream.indirect_vreg.gather [hbm4b:s6+s4], $0x80, v3, vm0, $0xb8;
	[tilespmem:$0x1B100] =	vst v63  }
0x174: {  	_ = 	snop  }
0x175: {  	[tilespmem:s22], [sflag:$0x3] =	stream.indirect_vreg.gather [hbm4b:s7+s4], $0x80, v3, vm0, $0xb8;
	[tilespmem:$0x1B100] =	vst v63  }
0x176: {  	v3 =	vld [tilespmem:$0x50];
	_ =	sdelay $0x4  }
0x177: {  	v63 =	vshrl.u32 v3, $0x3  }
0x178: {  	v4 =	vmul.u32 $0x30, v63  }
0x179: {  	v3 =	vand.u32 $0x7, v3  }
0x17a: {  	v3 =	vor.u32 v3, v4  }
0x17b: {  	v4 =	vperm.xlane v3, v0;
	_ =	sdelay $0x1  }
0x17c: {  	v4 =	vadd.s32 v1, v4;
	_ =	sdelay $0x3  }
0x17d: {  	s15 =	simm.s32 $0x12100;
	v3 =	vperm.xlane v3, v2  }
0x17e: {  	[tilespmem:s15], [sflag:$0x3] =	stream.indirect_vreg.gather [hbm4b:s1+s4], $0x80, v4, vm0, $0xb8;
	[tilespmem:$0x1B100] =	vst v63  }
0x17f: {  	v3 =	vadd.s32 v1, v3  }
0x180: {  	[tilespmem:s21], [sflag:$0x3] =	stream.indirect_vreg.gather [hbm4b:s6+s4], $0x80, v4, vm0, $0xb8;
	[tilespmem:$0x1B100] =	vst v63  }
0x181: {  	s22 =	simm.s32 $0x13100  }
0x182: {  	[tilespmem:s22], [sflag:$0x3] =	stream.indirect_vreg.gather [hbm4b:s7+s4], $0x80, v4, vm0, $0xb8;
	[tilespmem:$0x1B100] =	vst v63  }
0x183: {  	_ = 	snop  }
0x184: {  	[tilespmem:s20], [sflag:$0x3] =	stream.indirect_vreg.gather [hbm4b:s1+s4], $0x80, v3, vm0, $0xb8;
	[tilespmem:$0x1B100] =	vst v63  }
0x185: {  	s30 =	simm.s32 $0x14100  }
0x186: {  	[tilespmem:s30], [sflag:$0x3] =	stream.indirect_vreg.gather [hbm4b:s6+s4], $0x80, v3, vm0, $0xb8;
	[tilespmem:$0x1B100] =	vst v63  }
.Ltmp2:
0x187: {  	_ = 	snop;
	(pc) =	sbr.rel @p0 .LBB2_5-.Ltmp2, $4  }
0x188: {  	[tilespmem:s11], [sflag:$0x3] =	stream.indirect_vreg.gather [hbm4b:s7+s4], $0x80, v3, vm0, $0xb8;
	[tilespmem:$0x1B100] =	vst v63  }
0x189: {  	_ =	swait.ge [sflag:s2], $0x6000  }
0x18a: {  	[sflag:s2] =	ssyncset.done $0x0  }
0x18b: {  	s13 =	simm.s32 $0x1;
	[sflag:s2] =	ssyncadd.s32 $0xFFFFA000  }
0x18c: {  	s30 =	simm.s32 $0x0;
	s3 =	rddreg [dreg:$0x2];
	s0 =	simm.s32 $0x100  }
0x18d: {  	[tilespmem:s0], [sflag:$0x9] =	stream.linear.gather [hbm4b:s3+s30], $0x3000, $0x38;
	[tilespmem:$0x1B100] =	vst v63  }
0x18e: {  	_ =	swait.ge [sflag:s29], $0x3000  }
0x18f: {  	s22 =	sand.u32 $0x70, s30;
	s5 =	sand.u32 $0x1C00, s30;
	[sflag:s29] =	ssyncset.done $0x0  }
0x190: {  	[sflag:s29] =	ssyncadd.s32 $0xFFFFD000;
	s29 =	sor.u32 s22, s5  }
0x191: {  	v7 =	vld [tilespmem:s29+$0x100]  }
0x192: {  	v6 =	vld [tilespmem:s29+$0x180]  }
0x193: {  	v3 =	vld [tilespmem:s29+$0x200]  }
0x194: {  	v4 =	vld [tilespmem:s29+$0x280]  }
0x195: {  	s3 =	simm.s32 $0x0;
	s5 =	simm.s32 $0x10;
	v5 =	vld [tilespmem:s29+$0x300]  }
.LBB2_3:
0x196: {  	p1 =	sne.s32 s5, $0x2F0;
	[tilespmem:s29+$0x3100] =	vst v7;
	v7 =	vld [tilespmem:s29+$0x380]  }
0x197: {  	[tilespmem:s29+$0x3180] =	vst v6;
	v6 =	vld [tilespmem:s29+$0x400]  }
0x198: {  	[tilespmem:s29+$0x3200] =	vst v3  }
0x199: {  	[tilespmem:s29+$0x3280] =	vst v4  }
0x19a: {  	[tilespmem:s29+$0x3300] =	vst v5  }
0x19b: {  	s9 =	sor.u32 s3, s30;
	s30 =	smov.u32 s5;
	[tilespmem:s29+$0x3380] =	vst v7  }
0x19c: {  	s9 =	sor.u32 $0x380, s9;
	[tilespmem:s29+$0x3400] =	vst v6  }
0x19d: {  	v3 =	vld [tilespmem:s9+$0x100];
	_ =	sdelay $0x4  }
0x19e: {  	s3 =	sadd.s32 $0x80, s3;
	[tilespmem:s9+$0x3100] =	vst v3  }
0x19f: {  	s10 =	sand.u32 $0x1C00, s3;
	s9 =	sand.u32 $0x70, s5;
	v5 =	vld [tilespmem:s29+$0x1900]  }
0x1a0: {  	s9 =	sor.u32 s9, s10;
	v8 =	vld [tilespmem:s29+$0x1980]  }
.Ltmp3:
0x1a1: {  	v7 =	vld [tilespmem:s9+$0x100];
	(pc) =	sbr.rel @p1 .LBB2_3-.Ltmp3, $4  }
0x1a2: {  	v6 =	vld [tilespmem:s9+$0x180]  }
0x1a3: {  	v3 =	vld [tilespmem:s9+$0x200]  }
0x1a4: {  	v4 =	vld [tilespmem:s9+$0x280];
	[tilespmem:s29+$0x4900] =	vst v5  }
0x1a5: {  	s5 =	sadd.s32 $0x10, s5;
	v5 =	vld [tilespmem:s9+$0x300];
	[tilespmem:s29+$0x4980] =	vst v8;
	s29 =	smov.u32 s9  }
0x1a6: {  	[tilespmem:s29+$0x3100] =	vst v7;
	v61 =	vld [tilespmem:s29+$0x380]  }
0x1a7: {  	v62 =	vld [tilespmem:s29+$0x400];
	[tilespmem:s29+$0x3180] =	vst v6  }
0x1a8: {  	[tilespmem:s29+$0x3200] =	vst v3  }
0x1a9: {  	[tilespmem:s29+$0x3280] =	vst v4  }
0x1aa: {  	[tilespmem:s29+$0x3300] =	vst v5  }
0x1ab: {  	s3 =	sor.u32 s3, s30;
	[tilespmem:s29+$0x3380] =	vst v61  }
0x1ac: {  	s3 =	sor.u32 $0x380, s3;
	[tilespmem:s29+$0x3400] =	vst v62  }
0x1ad: {  	v3 =	vld [tilespmem:s3+$0x100];
	_ =	sdelay $0x4  }
0x1ae: {  	[tilespmem:s3+$0x3100] =	vst v3  }
0x1af: {  	v3 =	vld [tilespmem:s29+$0x1900]  }
0x1b0: {  	v63 =	vld [tilespmem:s29+$0x1980]  }
.Ltmp4:
0x1b1: {  	_ = 	snop;
	(pc) =	sbr.rel .LBB2_5-.Ltmp4, $3  }
0x1b2: {  	_ =	sdelay $0x1  }
0x1b3: {  	s17 =	simm.s32 $0x3100;
	s19 =	simm.s32 $0x9100;
	[tilespmem:s29+$0x4900] =	vst v3  }
0x1b4: {  	s12 =	simm.s32 $0xF100;
	s13 =	simm.s32 $0x1;
	[tilespmem:s29+$0x4980] =	vst v63;
	s29 =	simm.s32 $0x9  }
.LBB2_6:
0x1b5: {  	_ =	sfence.sel $0x180000  }
0x1b6: {  	[bflag:$0x0] =	sbarrier.arrive $0xFFFF  }
0x1b7: {  	_ =	strace $0x90000047  }
0x1b8: {  	s0 =	stileid.u32;
	[bflag:$0x2] =	sbarrier.arrive $0xFFFF  }
0x1b9: {  	p0 =	sne.s32 s0, $0x0;
	s0 =	rddreg [dreg:$0x4]  }
0x1ba: {  	s0 =	sadd.s32 @!p0 $0x100000, s0  }
0x1bb: {  	[sflag:s0] =	ssyncadd.tile.s32 @!p0 $0x1;
	_ =	shalt  }
.Lfunc_end2:
_tile_overlayer_lowered:
.L_overlay_start_2:
0x1bc: {  	(tag) =	ssettag $0x2  }
0x1bd: {  	s0 =	rddreg [dreg:$0x0];
	s2 =	stileid.u32  }
0x1be: {  	s1 =	rddreg [dreg:$0x1];
	p0 =	sne.s32 s2, $0x0  }
0x1bf: {  	s3 =	rddreg [dreg:$0x2];
	[bflag:$0x3] =	sbarrier.arrive $0xFFFF;
	s2 =	simm.s32 @!p0 $0x1C09  }
0x1c0: {  	[timem:s3], [sflag:s2] =	dma.local @!p0 [hbm:s0], s1  }
0x1c1: {  	s0 =	simm.s32 @!p0 $0x9  }
0x1c2: {  	_ =	swait.ge @!p0 [sflag:s0], s1  }
0x1c3: {  	s1 =	ssub.s32 @!p0 $0x0, s1;
	[sflag:s0] =	ssyncset.done @!p0 $0x0  }
0x1c4: {  	[sflag:s0] =	ssyncadd.s32 @!p0 s1  }
0x1c5: {  	[bflag:$0x3] =	sbarrier.arrive $0xFFFF  }
0x1c6: {  	_ =	shalt  }

</sc_bundles>
